<compile_context>
chip_gen: v7x
topology: tpu7x:2x2x1
jax: 0.10.2.dev20260603
libtpu: 0.0.44.dev20260713+nightly
codegen_flags: <defaults>
</compile_context>

<pallas_src>
import functools

import jax
import jax.numpy as jnp
from jax import lax
from jax.experimental import pallas as pl
from jax.experimental.pallas import tpu as pltpu
from jax.experimental.pallas import tpu_sc as plsc

N_NODES = 10000
N_EDGES = 160000
D_FEAT = 256
DH = D_FEAT // 2

NC, NS = 2, 16
EDGES_PER_TILE = N_EDGES // NS
BATCH = 80
NBATCH = EDGES_PER_TILE // BATCH
N_PAD = 10240
ROWS_PER_TILE = N_PAD // NS

_MESH = plsc.VectorSubcoreMesh(
    core_axis_name="c", subcore_axis_name="s", num_cores=NC, num_subcores=NS
)


BATCH_D = 40
NBATCH_D = (N_EDGES // (NC * NS)) // BATCH_D


@functools.partial(
    pl.kernel,
    out_type=jax.ShapeDtypeStruct((2, 1, N_PAD), jnp.float32),
    mesh=_MESH,
    scratch_types=[
        pltpu.VMEM((4, BATCH_D), jnp.int32),
        pltpu.VMEM((48,), jnp.float32),
        pltpu.VMEM_SHARED((N_PAD,), jnp.float32),
        pltpu.SemaphoreType.DMA((4,)),
        pltpu.SemaphoreType.DMA((4,)),
    ],
)
def _odeg_kernel(src_hbm, z_hbm, deg_hbm, idx_v, ones_v, deg_sh, isem, osem):
    c = lax.axis_index("c")
    s = lax.axis_index("s")
    for i in range(3):
        ones_v[pl.ds(i * 16, 16)] = jnp.ones((16,), jnp.float32)
    base = (c * NS + s) * (BATCH_D * NBATCH_D)

    def start_idx(b):
        pltpu.async_copy(src_hbm.at[pl.ds(base + b * BATCH_D, BATCH_D)],
                         idx_v.at[b % 4], isem.at[b % 4])

    def wait_idx(b):
        pltpu.make_async_copy(src_hbm.at[pl.ds(base + b * BATCH_D, BATCH_D)],
                              idx_v.at[b % 4], isem.at[b % 4]).wait()

    start_idx(0)
    start_idx(1)

    @pl.when(s == 0)
    def _():
        pltpu.sync_copy(z_hbm.at[c, 0], deg_sh)

    plsc.subcore_barrier()

    def start_ones(b):
        pltpu.async_copy(ones_v.at[pl.ds(0, BATCH_D)],
                         deg_sh.at[idx_v.at[b % 4]], osem.at[b % 4], add=True)

    def wait_ones(b):
        pltpu.make_async_copy(ones_v.at[pl.ds(0, BATCH_D)],
                              deg_sh.at[idx_v.at[b % 4]], osem.at[b % 4]).wait()

    def body(b, carry):
        @pl.when(b >= 2)
        def _():
            wait_ones(b - 2)

        @pl.when(b + 2 < NBATCH_D)
        def _():
            start_idx(b + 2)

        wait_idx(b)
        start_ones(b)
        return carry

    lax.fori_loop(0, NBATCH_D, body, 0)
    wait_ones(NBATCH_D - 2)
    wait_ones(NBATCH_D - 1)
    plsc.subcore_barrier()

    @pl.when(s == 0)
    def _():
        pltpu.sync_copy(deg_sh, deg_hbm.at[c, 0])


@functools.partial(
    pl.kernel,
    out_type=(jax.ShapeDtypeStruct((2, N_PAD, DH), jnp.float32),
              jax.ShapeDtypeStruct((2, 1, N_PAD), jnp.float32)),
    mesh=_MESH,
    scratch_types=[
        pltpu.VMEM((4, BATCH), jnp.int32),
        pltpu.VMEM((4, BATCH), jnp.int32),
        pltpu.VMEM((3, BATCH, DH), jnp.float32),
        pltpu.VMEM((BATCH,), jnp.float32),
        pltpu.VMEM_SHARED((N_PAD, DH), jnp.float32),
        pltpu.VMEM_SHARED((N_PAD,), jnp.float32),
        pltpu.SemaphoreType.DMA((4,)),
        pltpu.SemaphoreType.DMA((3,)),
        pltpu.SemaphoreType.DMA((4,)),
        pltpu.SemaphoreType.DMA((3,)),
    ],
)
def _agg_kernel(xs0_hbm, xs1_hbm, src_hbm, dst_hbm, z_hbm, zrow_hbm,
                out_hbm, indeg_hbm,
                si_v, di_v, rows_v, ones_v, acc_sh, indeg_sh,
                isem, gsem, osem, ssem):
    c = lax.axis_index("c")
    s = lax.axis_index("s")
    r0 = s * ROWS_PER_TILE
    base = s * EDGES_PER_TILE
    for i in range(BATCH // 16):
        ones_v[pl.ds(i * 16, 16)] = jnp.ones((16,), jnp.float32)

    def start_idx(b):
        sl = b % 4
        off = base + b * BATCH
        pltpu.async_copy(src_hbm.at[pl.ds(off, BATCH)], si_v.at[sl],
                         isem.at[sl])
        pltpu.async_copy(dst_hbm.at[pl.ds(off, BATCH)], di_v.at[sl],
                         isem.at[sl])

    def wait_idx(b):
        sl = b % 4
        off = base + b * BATCH
        pltpu.make_async_copy(src_hbm.at[pl.ds(off, BATCH)], si_v.at[sl],
                              isem.at[sl]).wait()
        pltpu.make_async_copy(dst_hbm.at[pl.ds(off, BATCH)], di_v.at[sl],
                              isem.at[sl]).wait()

    def start_gather(b):
        @pl.when(c == 0)
        def _():
            pltpu.async_copy(xs0_hbm.at[si_v.at[b % 4]], rows_v.at[b % 3],
                             gsem.at[b % 3])

        @pl.when(c == 1)
        def _():
            pltpu.async_copy(xs1_hbm.at[si_v.at[b % 4]], rows_v.at[b % 3],
                             gsem.at[b % 3])

    def wait_gather(b):
        pltpu.make_async_copy(xs0_hbm.at[si_v.at[b % 4]], rows_v.at[b % 3],
                              gsem.at[b % 3]).wait()

    def start_scatter(b):
        pltpu.async_copy(rows_v.at[b % 3], acc_sh.at[di_v.at[b % 4]],
                         ssem.at[b % 3], add=True)

    def wait_scatter(b):
        pltpu.make_async_copy(rows_v.at[b % 3], acc_sh.at[di_v.at[b % 4]],
                              ssem.at[b % 3]).wait()

    def start_ones(b):
        pltpu.async_copy(ones_v, indeg_sh.at[di_v.at[b % 4]], osem.at[b % 4],
                         add=True)

    def wait_ones(b):
        pltpu.make_async_copy(ones_v, indeg_sh.at[di_v.at[b % 4]],
                              osem.at[b % 4]).wait()

    start_idx(0)
    start_idx(1)
    pltpu.sync_copy(z_hbm.at[c, pl.ds(r0, ROWS_PER_TILE)],
                    acc_sh.at[pl.ds(r0, ROWS_PER_TILE)])

    @pl.when(s == 0)
    def _():
        pltpu.sync_copy(zrow_hbm.at[c, 0], indeg_sh)

    wait_idx(0)
    start_gather(0)
    plsc.subcore_barrier()

    def body(b, carry):
        @pl.when(b >= 2)
        def _():
            wait_ones(b - 2)
            wait_scatter(b - 2)

        @pl.when(b + 2 < NBATCH)
        def _():
            start_idx(b + 2)

        @pl.when(b + 1 < NBATCH)
        def _():
            wait_idx(b + 1)
            start_gather(b + 1)

        wait_gather(b)
        start_scatter(b)
        start_ones(b)
        return carry

    lax.fori_loop(0, NBATCH, body, 0)
    wait_scatter(NBATCH - 2)
    wait_scatter(NBATCH - 1)
    wait_ones(NBATCH - 2)
    wait_ones(NBATCH - 1)
    plsc.subcore_barrier()
    pltpu.sync_copy(acc_sh.at[pl.ds(r0, ROWS_PER_TILE)],
                    out_hbm.at[c, pl.ds(r0, ROWS_PER_TILE)])

    @pl.when(s == 0)
    def _():
        pltpu.sync_copy(indeg_sh, indeg_hbm.at[c, 0])


_ROWS_BLK = 1000


def _scale_body(feat_ref, degp_ref, o0_ref, o1_ref, zacc_ref):
    d = jnp.maximum(degp_ref[0] + degp_ref[1], 1.0)
    n = lax.rsqrt(d)
    o0_ref[...] = feat_ref[:, :DH] * n
    o1_ref[...] = feat_ref[:, DH:] * n
    zacc_ref[...] = jnp.zeros_like(zacc_ref)


_scale_call = pl.pallas_call(
    _scale_body,
    out_shape=(jax.ShapeDtypeStruct((N_NODES, DH), jnp.float32),
               jax.ShapeDtypeStruct((N_NODES, DH), jnp.float32),
               jax.ShapeDtypeStruct((2, N_PAD, DH), jnp.float32)),
    grid=(N_NODES // _ROWS_BLK,),
    in_specs=[
        pl.BlockSpec((_ROWS_BLK, D_FEAT), lambda i: (i, 0)),
        pl.BlockSpec((2, _ROWS_BLK, 1), lambda i: (0, i, 0)),
    ],
    out_specs=(pl.BlockSpec((_ROWS_BLK, DH), lambda i: (i, 0)),
               pl.BlockSpec((_ROWS_BLK, DH), lambda i: (i, 0)),
               pl.BlockSpec((2, N_PAD // (N_NODES // _ROWS_BLK), DH),
                            lambda i: (0, i, 0))),
)


def _fin_body(rst_ref, deg_ref, o_ref):
    d = jnp.maximum(deg_ref[...], 1.0)
    o_ref[...] = rst_ref[0] * lax.rsqrt(d)


_fin_call = pl.pallas_call(
    _fin_body,
    out_shape=jax.ShapeDtypeStruct((N_NODES, D_FEAT), jnp.float32),
    grid=(N_NODES // _ROWS_BLK, 2),
    in_specs=[
        pl.BlockSpec((1, _ROWS_BLK, DH), lambda i, h: (h, i, 0)),
        pl.BlockSpec((_ROWS_BLK, 1), lambda i, h: (i, 0)),
    ],
    out_specs=pl.BlockSpec((_ROWS_BLK, DH), lambda i, h: (i, h)),
)


def kernel(feature, edge_index):
    ei = edge_index.astype(jnp.int32)
    src = ei[0]
    dst = ei[1]
    zrow = jnp.zeros((2, 1, N_PAD), jnp.float32)
    degp = _odeg_kernel(src, zrow)
    xs0, xs1, zacc = _scale_call(
        feature, degp[:, 0, :N_NODES].reshape(2, N_NODES, 1))
    rst2, indeg2 = _agg_kernel(xs0, xs1, src, dst, zacc, zrow)
    in_deg = indeg2[0, 0, :N_NODES].reshape(N_NODES, 1)
    return _fin_call(rst2, in_deg)

# --- scband reference (transcript-rebuilt; emitter-appended) ---
"""Pipeline reference for scband-gcn-52458730553697 (READ-ONLY COPY).

The authoritative reference and input builder live on the scoring server;
editing this copy changes nothing except your own understanding.
"""

import jax, jax.numpy as jnp
import numpy as np

N_NODES = 10000
N_EDGES = 160000
D_FEAT = 256


def setup_inputs(seed: int = 0) -> dict:
    key = jax.random.key(seed)
    k1, k2 = jax.random.split(key)
    feature = jax.random.normal(k1, (N_NODES, D_FEAT), dtype=jnp.float32)
    edge_index = jax.random.randint(k2, (2, N_EDGES), 0, N_NODES).astype(jnp.int64)
    return {"feature": feature, "edge_index": edge_index}


def reference(feature, edge_index):
    # DGL GCN normalization layer (no learned weights):
    #   x = x * out_deg^{-1/2}; aggregate copy_u/sum over edges; rst = rst * in_deg^{-1/2}
    src = edge_index[0]
    dst = edge_index[1]
    n = feature.shape[0]
    ones = jnp.ones(src.shape[0], dtype=jnp.float32)
    # out_degrees: number of edges with node as source
    out_deg = jnp.maximum(jax.ops.segment_sum(ones, src, num_segments=n), 1.0)
    norm_out = (out_deg ** -0.5)[:, None]
    node_f = feature * norm_out
    # update_all(copy_u('n_f','m'), sum('m','n_f')): gather src feats, scatter-add to dst
    messages = node_f[src]
    rst = jax.ops.segment_sum(messages, dst, num_segments=n)
    # in_degrees: number of edges with node as destination
    in_deg = jnp.maximum(jax.ops.segment_sum(ones, dst, num_segments=n), 1.0)
    norm_in = (in_deg ** -0.5)[:, None]
    rst = rst * norm_in
    return rst

if __name__ == "__main__":
    import jax
    _d = setup_inputs()
    print(jax.jit(kernel)(*tuple(_d.values())))

</pallas_src>

<mosaic_0001>
#map = affine_map<(d0, d1) -> (0, 0)>
#map1 = affine_map<(d0, d1) -> (0)>
#map2 = affine_map<(d0, d1) -> (0, 0, 0)>
module attributes {stable_mosaic.version = 14 : i64} {
  func.func @_agg_kernel(%arg0: i32, %arg1: i32, %arg2: memref<10000x128xf32, #tpu.memory_space<hbm>>, %arg3: memref<10000x128xf32, #tpu.memory_space<hbm>>, %arg4: memref<160000xi32, #tpu.memory_space<hbm>>, %arg5: memref<160000xi32, #tpu.memory_space<hbm>>, %arg6: memref<2x10240x128xf32, #tpu.memory_space<hbm>>, %arg7: memref<2x1x10240xf32, #tpu.memory_space<hbm>>, %arg8: memref<2x10240x128xf32, #tpu.memory_space<hbm>>, %arg9: memref<2x1x10240xf32, #tpu.memory_space<hbm>>, %arg10: memref<4x80xi32, #tpu.memory_space<vmem>>, %arg11: memref<4x80xi32, #tpu.memory_space<vmem>>, %arg12: memref<3x80x128xf32, #tpu.memory_space<vmem>>, %arg13: memref<80xf32, #tpu.memory_space<vmem>>, %arg14: memref<10240x128xf32, #tpu.memory_space<vmem_shared>>, %arg15: memref<10240xf32, #tpu.memory_space<vmem_shared>>, %arg16: memref<4x!tpu.dma_semaphore, #tpu.memory_space<semaphore_mem>>, %arg17: memref<3x!tpu.dma_semaphore, #tpu.memory_space<semaphore_mem>>, %arg18: memref<4x!tpu.dma_semaphore, #tpu.memory_space<semaphore_mem>>, %arg19: memref<3x!tpu.dma_semaphore, #tpu.memory_space<semaphore_mem>>) attributes {dimension_semantics = [#tpu.dimension_semantics<core_parallel>, #tpu.dimension_semantics<subcore_parallel>], iteration_bounds = array<i64: 2, 16>, scalar_prefetch = 0 : i64, scratch_operands = 10 : i64, tpu.core_type = #tpu.core_type<sc_vector_subcore>, window_params = [{transform_indices = #map}, {transform_indices = #map}, {transform_indices = #map1}, {transform_indices = #map1}, {transform_indices = #map2}, {transform_indices = #map2}, {transform_indices = #map2}, {transform_indices = #map2}]} {
    %mul3A = arith.constant 640 : i32
    %mul3A_0 = arith.muli %arg1, %mul3A : i32
    %mul3A_1 = arith.constant 10000 : i32
    %mul3A_2 = arith.muli %arg1, %mul3A_1 : i32
    %broadcast_in_dim3A = arith.constant 1.000000e+00 : f32
    %broadcast_in_dim3A_3 = vector.broadcast %broadcast_in_dim3A : f32 to vector<16xf32>
    %swap3A = arith.constant 0 : index
    %swap3A_4 = tpu.vector_load %arg13[%swap3A] {strides = array<i32>} : memref<80xf32, #tpu.memory_space<vmem>>, vector<16xf32>,
    %swap3A_5 = vector.shape_cast %swap3A_4 : vector<16xf32> to vector<16xf32>
    %swap3A_6 = vector.shape_cast %broadcast_in_dim3A_3 : vector<16xf32> to vector<16xf32>
    tpu.vector_store %arg13[%swap3A], %swap3A_6 {strides = array<i32>} : memref<80xf32, #tpu.memory_space<vmem>>, vector<16xf32>,
    %broadcast_in_dim3A_7 = arith.constant 1.000000e+00 : f32
    %broadcast_in_dim3A_8 = vector.broadcast %broadcast_in_dim3A_7 : f32 to vector<16xf32>
    %swap3A_9 = arith.constant 16 : index
    %swap3A_10 = tpu.vector_load %arg13[%swap3A_9] {strides = array<i32>} : memref<80xf32, #tpu.memory_space<vmem>>, vector<16xf32>,
    %swap3A_11 = vector.shape_cast %swap3A_10 : vector<16xf32> to vector<16xf32>
    %swap3A_12 = vector.shape_cast %broadcast_in_dim3A_8 : vector<16xf32> to vector<16xf32>
    tpu.vector_store %arg13[%swap3A_9], %swap3A_12 {strides = array<i32>} : memref<80xf32, #tpu.memory_space<vmem>>, vector<16xf32>,
    %broadcast_in_dim3A_13 = arith.constant 1.000000e+00 : f32
    %broadcast_in_dim3A_14 = vector.broadcast %broadcast_in_dim3A_13 : f32 to vector<16xf32>
    %swap3A_15 = arith.constant 32 : index
    %swap3A_16 = tpu.vector_load %arg13[%swap3A_15] {strides = array<i32>} : memref<80xf32, #tpu.memory_space<vmem>>, vector<16xf32>,
    %swap3A_17 = vector.shape_cast %swap3A_16 : vector<16xf32> to vector<16xf32>
    %swap3A_18 = vector.shape_cast %broadcast_in_dim3A_14 : vector<16xf32> to vector<16xf32>
    tpu.vector_store %arg13[%swap3A_15], %swap3A_18 {strides = array<i32>} : memref<80xf32, #tpu.memory_space<vmem>>, vector<16xf32>,
    %broadcast_in_dim3A_19 = arith.constant 1.000000e+00 : f32
    %broadcast_in_dim3A_20 = vector.broadcast %broadcast_in_dim3A_19 : f32 to vector<16xf32>
    %swap3A_21 = arith.constant 48 : index
    %swap3A_22 = tpu.vector_load %arg13[%swap3A_21] {strides = array<i32>} : memref<80xf32, #tpu.memory_space<vmem>>, vector<16xf32>,
    %swap3A_23 = vector.shape_cast %swap3A_22 : vector<16xf32> to vector<16xf32>
    %swap3A_24 = vector.shape_cast %broadcast_in_dim3A_20 : vector<16xf32> to vector<16xf32>
    tpu.vector_store %arg13[%swap3A_21], %swap3A_24 {strides = array<i32>} : memref<80xf32, #tpu.memory_space<vmem>>, vector<16xf32>,
    %broadcast_in_dim3A_25 = arith.constant 1.000000e+00 : f32
    %broadcast_in_dim3A_26 = vector.broadcast %broadcast_in_dim3A_25 : f32 to vector<16xf32>
    %swap3A_27 = arith.constant 64 : index
    %swap3A_28 = tpu.vector_load %arg13[%swap3A_27] {strides = array<i32>} : memref<80xf32, #tpu.memory_space<vmem>>, vector<16xf32>,
    %swap3A_29 = vector.shape_cast %swap3A_28 : vector<16xf32> to vector<16xf32>
    %swap3A_30 = vector.shape_cast %broadcast_in_dim3A_26 : vector<16xf32> to vector<16xf32>
    tpu.vector_store %arg13[%swap3A_27], %swap3A_30 {strides = array<i32>} : memref<80xf32, #tpu.memory_space<vmem>>, vector<16xf32>,
    %add3A = arith.constant 0 : i32
    %add3A_31 = arith.addi %mul3A_2, %add3A : i32
    %dma_start3A = arith.constant 0 : i32
    %dma_start3A_32 = arith.constant 0 : i32
    %dma_start3A_33 = arith.constant 0 : i32
    %dma_start3A_34 = tpu.memref_slice %arg10[%dma_start3A, %dma_start3A_33] : memref<4x80xi32, #tpu.memory_space<vmem>> -> memref<1x80xi32, #tpu.memory_space<vmem>>
    %dma_start3A_35 = tpu.memref_squeeze %dma_start3A_34 : memref<1x80xi32, #tpu.memory_space<vmem>> -> memref<80xi32, #tpu.memory_space<vmem>>
    %dma_start3A_36 = tpu.memref_slice %arg4[%add3A_31] : memref<160000xi32, #tpu.memory_space<hbm>> -> memref<80xi32, #tpu.memory_space<hbm>>
    %dma_start3A_37 = tpu.memref_slice %arg16[%dma_start3A_32] : memref<4x!tpu.dma_semaphore, #tpu.memory_space<semaphore_mem>> -> memref<1x!tpu.dma_semaphore, #tpu.memory_space<semaphore_mem>>
    %dma_start3A_38 = tpu.memref_squeeze %dma_start3A_37 : memref<1x!tpu.dma_semaphore, #tpu.memory_space<semaphore_mem>> -> memref<!tpu.dma_semaphore, #tpu.memory_space<semaphore_mem>>
    %dma_start3A_39 = arith.constant 0 : i32
    %dma_start3A_40 = tpu.memref_slice %arg10[%dma_start3A, %dma_start3A_39] : memref<4x80xi32, #tpu.memory_space<vmem>> -> memref<1x80xi32, #tpu.memory_space<vmem>>
    %dma_start3A_41 = tpu.memref_squeeze %dma_start3A_40 : memref<1x80xi32, #tpu.memory_space<vmem>> -> memref<80xi32, #tpu.memory_space<vmem>>
    %dma_start3A_42 = tpu.memref_slice %arg4[%add3A_31] : memref<160000xi32, #tpu.memory_space<hbm>> -> memref<80xi32, #tpu.memory_space<hbm>>
    tpu.enqueue_dma source(%dma_start3A_42 : memref<80xi32, #tpu.memory_space<hbm>>) target(%dma_start3A_41 : memref<80xi32, #tpu.memory_space<vmem>>) target_semaphore(%dma_start3A_38 : memref<!tpu.dma_semaphore, #tpu.memory_space<semaphore_mem>>)
    %dma_start3A_43 = arith.constant 0 : i32
    %dma_start3A_44 = arith.constant 0 : i32
    %dma_start3A_45 = arith.constant 0 : i32
    %dma_start3A_46 = tpu.memref_slice %arg11[%dma_start3A_43, %dma_start3A_45] : memref<4x80xi32, #tpu.memory_space<vmem>> -> memref<1x80xi32, #tpu.memory_space<vmem>>
    %dma_start3A_47 = tpu.memref_squeeze %dma_start3A_46 : memref<1x80xi32, #tpu.memory_space<vmem>> -> memref<80xi32, #tpu.memory_space<vmem>>
    %dma_start3A_48 = tpu.memref_slice %arg5[%add3A_31] : memref<160000xi32, #tpu.memory_space<hbm>> -> memref<80xi32, #tpu.memory_space<hbm>>
    %dma_start3A_49 = tpu.memref_slice %arg16[%dma_start3A_44] : memref<4x!tpu.dma_semaphore, #tpu.memory_space<semaphore_mem>> -> memref<1x!tpu.dma_semaphore, #tpu.memory_space<semaphore_mem>>
    %dma_start3A_50 = tpu.memref_squeeze %dma_start3A_49 : memref<1x!tpu.dma_semaphore, #tpu.memory_space<semaphore_mem>> -> memref<!tpu.dma_semaphore, #tpu.memory_space<semaphore_mem>>
    %dma_start3A_51 = arith.constant 0 : i32
    %dma_start3A_52 = tpu.memref_slice %arg11[%dma_start3A_43, %dma_start3A_51] : memref<4x80xi32, #tpu.memory_space<vmem>> -> memref<1x80xi32, #tpu.memory_space<vmem>>
    %dma_start3A_53 = tpu.memref_squeeze %dma_start3A_52 : memref<1x80xi32, #tpu.memory_space<vmem>> -> memref<80xi32, #tpu.memory_space<vmem>>
    %dma_start3A_54 = tpu.memref_slice %arg5[%add3A_31] : memref<160000xi32, #tpu.memory_space<hbm>> -> memref<80xi32, #tpu.memory_space<hbm>>
    tpu.enqueue_dma source(%dma_start3A_54 : memref<80xi32, #tpu.memory_space<hbm>>) target(%dma_start3A_53 : memref<80xi32, #tpu.memory_space<vmem>>) target_semaphore(%dma_start3A_50 : memref<!tpu.dma_semaphore, #tpu.memory_space<semaphore_mem>>)
    %add3A_55 = arith.constant 80 : i32
    %add3A_56 = arith.addi %mul3A_2, %add3A_55 : i32
    %dma_start3A_57 = arith.constant 1 : i32
    %dma_start3A_58 = arith.constant 1 : i32
    %dma_start3A_59 = arith.constant 0 : i32
    %dma_start3A_60 = tpu.memref_slice %arg10[%dma_start3A_57, %dma_start3A_59] : memref<4x80xi32, #tpu.memory_space<vmem>> -> memref<1x80xi32, #tpu.memory_space<vmem>>
    %dma_start3A_61 = tpu.memref_squeeze %dma_start3A_60 : memref<1x80xi32, #tpu.memory_space<vmem>> -> memref<80xi32, #tpu.memory_space<vmem>>
    %dma_start3A_62 = tpu.memref_slice %arg4[%add3A_56] : memref<160000xi32, #tpu.memory_space<hbm>> -> memref<80xi32, #tpu.memory_space<hbm>>
    %dma_start3A_63 = tpu.memref_slice %arg16[%dma_start3A_58] : memref<4x!tpu.dma_semaphore, #tpu.memory_space<semaphore_mem>> -> memref<1x!tpu.dma_semaphore, #tpu.memory_space<semaphore_mem>>
    %dma_start3A_64 = tpu.memref_squeeze %dma_start3A_63 : memref<1x!tpu.dma_semaphore, #tpu.memory_space<semaphore_mem>> -> memref<!tpu.dma_semaphore, #tpu.memory_space<semaphore_mem>>
    %dma_start3A_65 = arith.constant 0 : i32
    %dma_start3A_66 = tpu.memref_slice %arg10[%dma_start3A_57, %dma_start3A_65] : memref<4x80xi32, #tpu.memory_space<vmem>> -> memref<1x80xi32, #tpu.memory_space<vmem>>
    %dma_start3A_67 = tpu.memref_squeeze %dma_start3A_66 : memref<1x80xi32, #tpu.memory_space<vmem>> -> memref<80xi32, #tpu.memory_space<vmem>>
    %dma_start3A_68 = tpu.memref_slice %arg4[%add3A_56] : memref<160000xi32, #tpu.memory_space<hbm>> -> memref<80xi32, #tpu.memory_space<hbm>>
    tpu.enqueue_dma source(%dma_start3A_68 : memref<80xi32, #tpu.memory_space<hbm>>) target(%dma_start3A_67 : memref<80xi32, #tpu.memory_space<vmem>>) target_semaphore(%dma_start3A_64 : memref<!tpu.dma_semaphore, #tpu.memory_space<semaphore_mem>>)
    %dma_start3A_69 = arith.constant 1 : i32
    %dma_start3A_70 = arith.constant 1 : i32
    %dma_start3A_71 = arith.constant 0 : i32
    %dma_start3A_72 = tpu.memref_slice %arg11[%dma_start3A_69, %dma_start3A_71] : memref<4x80xi32, #tpu.memory_space<vmem>> -> memref<1x80xi32, #tpu.memory_space<vmem>>
    %dma_start3A_73 = tpu.memref_squeeze %dma_start3A_72 : memref<1x80xi32, #tpu.memory_space<vmem>> -> memref<80xi32, #tpu.memory_space<vmem>>
    %dma_start3A_74 = tpu.memref_slice %arg5[%add3A_56] : memref<160000xi32, #tpu.memory_space<hbm>> -> memref<80xi32, #tpu.memory_space<hbm>>
    %dma_start3A_75 = tpu.memref_slice %arg16[%dma_start3A_70] : memref<4x!tpu.dma_semaphore, #tpu.memory_space<semaphore_mem>> -> memref<1x!tpu.dma_semaphore, #tpu.memory_space<semaphore_mem>>
    %dma_start3A_76 = tpu.memref_squeeze %dma_start3A_75 : memref<1x!tpu.dma_semaphore, #tpu.memory_space<semaphore_mem>> -> memref<!tpu.dma_semaphore, #tpu.memory_space<semaphore_mem>>
    %dma_start3A_77 = arith.constant 0 : i32
    %dma_start3A_78 = tpu.memref_slice %arg11[%dma_start3A_69, %dma_start3A_77] : memref<4x80xi32, #tpu.memory_space<vmem>> -> memref<1x80xi32, #tpu.memory_space<vmem>>
    %dma_start3A_79 = tpu.memref_squeeze %dma_start3A_78 : memref<1x80xi32, #tpu.memory_space<vmem>> -> memref<80xi32, #tpu.memory_space<vmem>>
    %dma_start3A_80 = tpu.memref_slice %arg5[%add3A_56] : memref<160000xi32, #tpu.memory_space<hbm>> -> memref<80xi32, #tpu.memory_space<hbm>>
    tpu.enqueue_dma source(%dma_start3A_80 : memref<80xi32, #tpu.memory_space<hbm>>) target(%dma_start3A_79 : memref<80xi32, #tpu.memory_space<vmem>>) target_semaphore(%dma_start3A_76 : memref<!tpu.dma_semaphore, #tpu.memory_space<semaphore_mem>>)
    "tpu.region"() ({
      %run_scoped3A = tpu.sem_alloc : memref<!tpu.dma_semaphore, #tpu.memory_space<semaphore_mem>>
      %dma_start3A_177 = arith.constant 0 : i32
      %dma_start3A_178 = tpu.memref_slice %arg14[%mul3A_0, %dma_start3A_177] : memref<10240x128xf32, #tpu.memory_space<vmem_shared>> -> memref<640x128xf32, #tpu.memory_space<vmem_shared>>
      %dma_start3A_179 = arith.constant 0 : i32
      %dma_start3A_180 = tpu.memref_slice %arg6[%arg0, %mul3A_0, %dma_start3A_179] : memref<2x10240x128xf32, #tpu.memory_space<hbm>> -> memref<1x640x128xf32, #tpu.memory_space<hbm>>
      %dma_start3A_181 = tpu.memref_squeeze %dma_start3A_180 : memref<1x640x128xf32, #tpu.memory_space<hbm>> -> memref<640x128xf32, #tpu.memory_space<hbm>>
      tpu.enqueue_dma source(%dma_start3A_181 : memref<640x128xf32, #tpu.memory_space<hbm>>) target(%dma_start3A_178 : memref<640x128xf32, #tpu.memory_space<vmem_shared>>) target_semaphore(%run_scoped3A : memref<!tpu.dma_semaphore, #tpu.memory_space<semaphore_mem>>)
      %dma_wait3A_182 = arith.constant 0 : i32
      %dma_wait3A_183 = tpu.memref_slice %arg14[%mul3A_0, %dma_wait3A_182] : memref<10240x128xf32, #tpu.memory_space<vmem_shared>> -> memref<640x128xf32, #tpu.memory_space<vmem_shared>>
      %dma_wait3A_184 = arith.constant 0 : i32
      %dma_wait3A_185 = tpu.memref_slice %arg6[%arg0, %mul3A_0, %dma_wait3A_184] : memref<2x10240x128xf32, #tpu.memory_space<hbm>> -> memref<1x640x128xf32, #tpu.memory_space<hbm>>
      %dma_wait3A_186 = tpu.memref_squeeze %dma_wait3A_185 : memref<1x640x128xf32, #tpu.memory_space<hbm>> -> memref<640x128xf32, #tpu.memory_space<hbm>>
      tpu.wait_dma2 semaphore(%run_scoped3A : memref<!tpu.dma_semaphore, #tpu.memory_space<semaphore_mem>>) src(%dma_wait3A_186 : memref<640x128xf32, #tpu.memory_space<hbm>>) dst(%dma_wait3A_183 : memref<640x128xf32, #tpu.memory_space<vmem_shared>>)
      tpu.yield
    }) : () -> ()
    %eq3A = arith.constant 0 : i32
    %eq3A_81 = arith.cmpi eq, %arg1, %eq3A : i32
    %convert_element_type3A = arith.extui %eq3A_81 : i1 to i32
    %cond3A = arith.constant 0 : i32
    %cond3A_82 = arith.cmpi ne, %convert_element_type3A, %cond3A : i32
    scf.if %cond3A_82 {
      %run_scoped3A = arith.constant 0 : i32
      "tpu.region"() ({
        %run_scoped3A_177 = tpu.sem_alloc : memref<!tpu.dma_semaphore, #tpu.memory_space<semaphore_mem>>
        %dma_start3A_178 = arith.constant 0 : i32
        %dma_start3A_179 = tpu.memref_slice %arg7[%arg0, %run_scoped3A, %dma_start3A_178] : memref<2x1x10240xf32, #tpu.memory_space<hbm>> -> memref<1x1x10240xf32, #tpu.memory_space<hbm>>
        %dma_start3A_180 = tpu.memref_squeeze %dma_start3A_179 : memref<1x1x10240xf32, #tpu.memory_space<hbm>> -> memref<10240xf32, #tpu.memory_space<hbm>>
        tpu.enqueue_dma source(%dma_start3A_180 : memref<10240xf32, #tpu.memory_space<hbm>>) target(%arg15 : memref<10240xf32, #tpu.memory_space<vmem_shared>>) target_semaphore(%run_scoped3A_177 : memref<!tpu.dma_semaphore, #tpu.memory_space<semaphore_mem>>)
        %dma_wait3A_181 = arith.constant 0 : i32
        %dma_wait3A_182 = tpu.memref_slice %arg7[%arg0, %run_scoped3A, %dma_wait3A_181] : memref<2x1x10240xf32, #tpu.memory_space<hbm>> -> memref<1x1x10240xf32, #tpu.memory_space<hbm>>
        %dma_wait3A_183 = tpu.memref_squeeze %dma_wait3A_182 : memref<1x1x10240xf32, #tpu.memory_space<hbm>> -> memref<10240xf32, #tpu.memory_space<hbm>>
        tpu.wait_dma2 semaphore(%run_scoped3A_177 : memref<!tpu.dma_semaphore, #tpu.memory_space<semaphore_mem>>) src(%dma_wait3A_183 : memref<10240xf32, #tpu.memory_space<hbm>>) dst(%arg15 : memref<10240xf32, #tpu.memory_space<vmem_shared>>)
        tpu.yield
      }) : () -> ()
    } else {
    }
    %add3A_83 = arith.constant 0 : i32
    %add3A_84 = arith.addi %mul3A_2, %add3A_83 : i32
    %dma_wait3A = arith.constant 0 : i32
    %dma_wait3A_85 = arith.constant 0 : i32
    %dma_wait3A_86 = arith.constant 0 : i32
    %dma_wait3A_87 = tpu.memref_slice %arg10[%dma_wait3A, %dma_wait3A_86] : memref<4x80xi32, #tpu.memory_space<vmem>> -> memref<1x80xi32, #tpu.memory_space<vmem>>
    %dma_wait3A_88 = tpu.memref_squeeze %dma_wait3A_87 : memref<1x80xi32, #tpu.memory_space<vmem>> -> memref<80xi32, #tpu.memory_space<vmem>>
    %dma_wait3A_89 = tpu.memref_slice %arg4[%add3A_84] : memref<160000xi32, #tpu.memory_space<hbm>> -> memref<80xi32, #tpu.memory_space<hbm>>
    %dma_wait3A_90 = tpu.memref_slice %arg16[%dma_wait3A_85] : memref<4x!tpu.dma_semaphore, #tpu.memory_space<semaphore_mem>> -> memref<1x!tpu.dma_semaphore, #tpu.memory_space<semaphore_mem>>
    %dma_wait3A_91 = tpu.memref_squeeze %dma_wait3A_90 : memref<1x!tpu.dma_semaphore, #tpu.memory_space<semaphore_mem>> -> memref<!tpu.dma_semaphore, #tpu.memory_space<semaphore_mem>>
    %dma_wait3A_92 = arith.constant 0 : i32
    %dma_wait3A_93 = tpu.memref_slice %arg10[%dma_wait3A, %dma_wait3A_92] : memref<4x80xi32, #tpu.memory_space<vmem>> -> memref<1x80xi32, #tpu.memory_space<vmem>>
    %dma_wait3A_94 = tpu.memref_squeeze %dma_wait3A_93 : memref<1x80xi32, #tpu.memory_space<vmem>> -> memref<80xi32, #tpu.memory_space<vmem>>
    %dma_wait3A_95 = tpu.memref_slice %arg4[%add3A_84] : memref<160000xi32, #tpu.memory_space<hbm>> -> memref<80xi32, #tpu.memory_space<hbm>>
    tpu.wait_dma2 semaphore(%dma_wait3A_91 : memref<!tpu.dma_semaphore, #tpu.memory_space<semaphore_mem>>) src(%dma_wait3A_95 : memref<80xi32, #tpu.memory_space<hbm>>) dst(%dma_wait3A_94 : memref<80xi32, #tpu.memory_space<vmem>>)
    %dma_wait3A_96 = arith.constant 0 : i32
    %dma_wait3A_97 = arith.constant 0 : i32
    %dma_wait3A_98 = arith.constant 0 : i32
    %dma_wait3A_99 = tpu.memref_slice %arg11[%dma_wait3A_96, %dma_wait3A_98] : memref<4x80xi32, #tpu.memory_space<vmem>> -> memref<1x80xi32, #tpu.memory_space<vmem>>
    %dma_wait3A_100 = tpu.memref_squeeze %dma_wait3A_99 : memref<1x80xi32, #tpu.memory_space<vmem>> -> memref<80xi32, #tpu.memory_space<vmem>>
    %dma_wait3A_101 = tpu.memref_slice %arg5[%add3A_84] : memref<160000xi32, #tpu.memory_space<hbm>> -> memref<80xi32, #tpu.memory_space<hbm>>
    %dma_wait3A_102 = tpu.memref_slice %arg16[%dma_wait3A_97] : memref<4x!tpu.dma_semaphore, #tpu.memory_space<semaphore_mem>> -> memref<1x!tpu.dma_semaphore, #tpu.memory_space<semaphore_mem>>
    %dma_wait3A_103 = tpu.memref_squeeze %dma_wait3A_102 : memref<1x!tpu.dma_semaphore, #tpu.memory_space<semaphore_mem>> -> memref<!tpu.dma_semaphore, #tpu.memory_space<semaphore_mem>>
    %dma_wait3A_104 = arith.constant 0 : i32
    %dma_wait3A_105 = tpu.memref_slice %arg11[%dma_wait3A_96, %dma_wait3A_104] : memref<4x80xi32, #tpu.memory_space<vmem>> -> memref<1x80xi32, #tpu.memory_space<vmem>>
    %dma_wait3A_106 = tpu.memref_squeeze %dma_wait3A_105 : memref<1x80xi32, #tpu.memory_space<vmem>> -> memref<80xi32, #tpu.memory_space<vmem>>
    %dma_wait3A_107 = tpu.memref_slice %arg5[%add3A_84] : memref<160000xi32, #tpu.memory_space<hbm>> -> memref<80xi32, #tpu.memory_space<hbm>>
    tpu.wait_dma2 semaphore(%dma_wait3A_103 : memref<!tpu.dma_semaphore, #tpu.memory_space<semaphore_mem>>) src(%dma_wait3A_107 : memref<80xi32, #tpu.memory_space<hbm>>) dst(%dma_wait3A_106 : memref<80xi32, #tpu.memory_space<vmem>>)
    %eq3A_108 = arith.constant 0 : i32
    %eq3A_109 = arith.cmpi eq, %arg0, %eq3A_108 : i32
    %convert_element_type3A_110 = arith.extui %eq3A_109 : i1 to i32
    %cond3A_111 = arith.constant 0 : i32
    %cond3A_112 = arith.cmpi ne, %convert_element_type3A_110, %cond3A_111 : i32
    scf.if %cond3A_112 {
      %dma_start3A_177 = arith.constant 0 : i32
      %dma_start3A_178 = arith.constant 0 : i32
      %dma_start3A_179 = arith.constant 0 : i32
      %dma_start3A_180 = arith.constant 0 : i32
      %dma_start3A_181 = arith.constant 0 : i32
      %dma_start3A_182 = tpu.memref_slice %arg12[%dma_start3A_178, %dma_start3A_180, %dma_start3A_181] : memref<3x80x128xf32, #tpu.memory_space<vmem>> -> memref<1x80x128xf32, #tpu.memory_space<vmem>>
      %dma_start3A_183 = tpu.memref_squeeze %dma_start3A_182 : memref<1x80x128xf32, #tpu.memory_space<vmem>> -> memref<80x128xf32, #tpu.memory_space<vmem>>
      %dma_start3A_184 = arith.constant 0 : i32
      %dma_start3A_185 = tpu.memref_slice %arg10[%dma_start3A_177, %dma_start3A_184] : memref<4x80xi32, #tpu.memory_space<vmem>> -> memref<1x80xi32, #tpu.memory_space<vmem>>
      %dma_start3A_186 = tpu.memref_squeeze %dma_start3A_185 : memref<1x80xi32, #tpu.memory_space<vmem>> -> memref<80xi32, #tpu.memory_space<vmem>>
      %dma_start3A_187 = arith.constant 0 : i32
      %dma_start3A_188 = arith.constant 0 : i32
      %dma_start3A_189 = tpu.memref_slice %arg2[%dma_start3A_187, %dma_start3A_188] : memref<10000x128xf32, #tpu.memory_space<hbm>> -> memref<10000x128xf32, #tpu.memory_space<hbm>>
      %dma_start3A_190 = tpu.memref_slice %arg17[%dma_start3A_179] : memref<3x!tpu.dma_semaphore, #tpu.memory_space<semaphore_mem>> -> memref<1x!tpu.dma_semaphore, #tpu.memory_space<semaphore_mem>>
      %dma_start3A_191 = tpu.memref_squeeze %dma_start3A_190 : memref<1x!tpu.dma_semaphore, #tpu.memory_space<semaphore_mem>> -> memref<!tpu.dma_semaphore, #tpu.memory_space<semaphore_mem>>
      tpu.enqueue_indirect_dma source(%dma_start3A_189 : memref<10000x128xf32, #tpu.memory_space<hbm>>) target(%dma_start3A_183 : memref<80x128xf32, #tpu.memory_space<vmem>>) offsets(%dma_start3A_186 : memref<80xi32, #tpu.memory_space<vmem>>) semaphore(%dma_start3A_191 : memref<!tpu.dma_semaphore, #tpu.memory_space<semaphore_mem>>)
    } else {
    }
    %eq3A_113 = arith.constant 1 : i32
    %eq3A_114 = arith.cmpi eq, %arg0, %eq3A_113 : i32
    %convert_element_type3A_115 = arith.extui %eq3A_114 : i1 to i32
    %cond3A_116 = arith.constant 0 : i32
    %cond3A_117 = arith.cmpi ne, %convert_element_type3A_115, %cond3A_116 : i32
    scf.if %cond3A_117 {
      %dma_start3A_177 = arith.constant 0 : i32
      %dma_start3A_178 = arith.constant 0 : i32
      %dma_start3A_179 = arith.constant 0 : i32
      %dma_start3A_180 = arith.constant 0 : i32
      %dma_start3A_181 = arith.constant 0 : i32
      %dma_start3A_182 = tpu.memref_slice %arg12[%dma_start3A_178, %dma_start3A_180, %dma_start3A_181] : memref<3x80x128xf32, #tpu.memory_space<vmem>> -> memref<1x80x128xf32, #tpu.memory_space<vmem>>
      %dma_start3A_183 = tpu.memref_squeeze %dma_start3A_182 : memref<1x80x128xf32, #tpu.memory_space<vmem>> -> memref<80x128xf32, #tpu.memory_space<vmem>>
      %dma_start3A_184 = arith.constant 0 : i32
      %dma_start3A_185 = tpu.memref_slice %arg10[%dma_start3A_177, %dma_start3A_184] : memref<4x80xi32, #tpu.memory_space<vmem>> -> memref<1x80xi32, #tpu.memory_space<vmem>>
      %dma_start3A_186 = tpu.memref_squeeze %dma_start3A_185 : memref<1x80xi32, #tpu.memory_space<vmem>> -> memref<80xi32, #tpu.memory_space<vmem>>
      %dma_start3A_187 = arith.constant 0 : i32
      %dma_start3A_188 = arith.constant 0 : i32
      %dma_start3A_189 = tpu.memref_slice %arg3[%dma_start3A_187, %dma_start3A_188] : memref<10000x128xf32, #tpu.memory_space<hbm>> -> memref<10000x128xf32, #tpu.memory_space<hbm>>
      %dma_start3A_190 = tpu.memref_slice %arg17[%dma_start3A_179] : memref<3x!tpu.dma_semaphore, #tpu.memory_space<semaphore_mem>> -> memref<1x!tpu.dma_semaphore, #tpu.memory_space<semaphore_mem>>
      %dma_start3A_191 = tpu.memref_squeeze %dma_start3A_190 : memref<1x!tpu.dma_semaphore, #tpu.memory_space<semaphore_mem>> -> memref<!tpu.dma_semaphore, #tpu.memory_space<semaphore_mem>>
      tpu.enqueue_indirect_dma source(%dma_start3A_189 : memref<10000x128xf32, #tpu.memory_space<hbm>>) target(%dma_start3A_183 : memref<80x128xf32, #tpu.memory_space<vmem>>) offsets(%dma_start3A_186 : memref<80xi32, #tpu.memory_space<vmem>>) semaphore(%dma_start3A_191 : memref<!tpu.dma_semaphore, #tpu.memory_space<semaphore_mem>>)
    } else {
    }
    %barrier3A = arith.constant 0 : index
    tpu.barrier barrier_id(%barrier3A)
    %scan3A = arith.constant 0 : i32
    %scan3A_118 = arith.constant 0 : i32
    %scan3A_119 = arith.constant 125 : i32
    %scan3A_120 = arith.addi %scan3A_118, %scan3A_119 : i32
    %scan3A_121 = arith.constant 1 : i32
    scf.for %scan3A_177 = %scan3A_118 to %scan3A_120 step %scan3A_121  : i32 {
      %ge3A = arith.constant 2 : i32
      %ge3A_178 = arith.cmpi sge, %scan3A_177, %ge3A : i32
      %convert_element_type3A_179 = arith.extui %ge3A_178 : i1 to i32
      %cond3A_180 = arith.constant 0 : i32
      %cond3A_181 = arith.cmpi ne, %convert_element_type3A_179, %cond3A_180 : i32
      scf.if %cond3A_181 {
        %sub3A = arith.constant 2 : i32
        %sub3A_349 = arith.subi %scan3A_177, %sub3A : i32
        %jit3A_350 = arith.constant 4 : i32
        %eq3A_351 = arith.constant 0 : i32
        %eq3A_352 = arith.cmpi eq, %jit3A_350, %eq3A_351 : i32
        %jit3A_353 = arith.constant 1 : i32
        %select_n3A_354 = arith.select %eq3A_352, %jit3A_353, %jit3A_350 : i32
        %rem3A_355 = arith.remsi %sub3A_349, %select_n3A_354 : i32
        %ne3A_356 = arith.constant 0 : i32
        %ne3A_357 = arith.cmpi ne, %rem3A_355, %ne3A_356 : i32
        %lt3A_358 = arith.constant 0 : i32
        %lt3A_359 = arith.cmpi slt, %rem3A_355, %lt3A_358 : i32
        %lt3A_360 = arith.constant 0 : i32
        %lt3A_361 = arith.cmpi slt, %select_n3A_354, %lt3A_360 : i32
        %ne3A_362 = arith.xori %lt3A_359, %lt3A_361 : i1
        %and3A_363 = arith.andi %ne3A_362, %ne3A_357 : i1
        %add3A_364 = arith.addi %rem3A_355, %select_n3A_354 : i32
        %select_n3A_365 = arith.select %and3A_363, %add3A_364, %rem3A_355 : i32
        %jit3A_366 = arith.constant 4 : i32
        %eq3A_367 = arith.constant 0 : i32
        %eq3A_368 = arith.cmpi eq, %jit3A_366, %eq3A_367 : i32
        %jit3A_369 = arith.constant 1 : i32
        %select_n3A_370 = arith.select %eq3A_368, %jit3A_369, %jit3A_366 : i32
        %rem3A_371 = arith.remsi %sub3A_349, %select_n3A_370 : i32
        %ne3A_372 = arith.constant 0 : i32
        %ne3A_373 = arith.cmpi ne, %rem3A_371, %ne3A_372 : i32
        %lt3A_374 = arith.constant 0 : i32
        %lt3A_375 = arith.cmpi slt, %rem3A_371, %lt3A_374 : i32
        %lt3A_376 = arith.constant 0 : i32
        %lt3A_377 = arith.cmpi slt, %select_n3A_370, %lt3A_376 : i32
        %ne3A_378 = arith.xori %lt3A_375, %lt3A_377 : i1
        %and3A_379 = arith.andi %ne3A_378, %ne3A_373 : i1
        %add3A_380 = arith.addi %rem3A_371, %select_n3A_370 : i32
        %select_n3A_381 = arith.select %and3A_379, %add3A_380, %rem3A_371 : i32
        %dma_wait3A_382 = arith.constant 0 : i32
        %dma_wait3A_383 = tpu.memref_slice %arg11[%select_n3A_365, %dma_wait3A_382] : memref<4x80xi32, #tpu.memory_space<vmem>> -> memref<1x80xi32, #tpu.memory_space<vmem>>
        %dma_wait3A_384 = tpu.memref_squeeze %dma_wait3A_383 : memref<1x80xi32, #tpu.memory_space<vmem>> -> memref<80xi32, #tpu.memory_space<vmem>>
        %dma_wait3A_385 = arith.constant 0 : i32
        %dma_wait3A_386 = tpu.memref_slice %arg15[%dma_wait3A_385] : memref<10240xf32, #tpu.memory_space<vmem_shared>> -> memref<10240xf32, #tpu.memory_space<vmem_shared>>
        %dma_wait3A_387 = tpu.memref_slice %arg18[%select_n3A_381] : memref<4x!tpu.dma_semaphore, #tpu.memory_space<semaphore_mem>> -> memref<1x!tpu.dma_semaphore, #tpu.memory_space<semaphore_mem>>
        %dma_wait3A_388 = tpu.memref_squeeze %dma_wait3A_387 : memref<1x!tpu.dma_semaphore, #tpu.memory_space<semaphore_mem>> -> memref<!tpu.dma_semaphore, #tpu.memory_space<semaphore_mem>>
        tpu.wait_indirect_dma semaphore(%dma_wait3A_388 : memref<!tpu.dma_semaphore, #tpu.memory_space<semaphore_mem>>) src(%arg13 : memref<80xf32, #tpu.memory_space<vmem>>) dst(%dma_wait3A_386 : memref<10240xf32, #tpu.memory_space<vmem_shared>>)
        %sub3A_389 = arith.constant 2 : i32
        %sub3A_390 = arith.subi %scan3A_177, %sub3A_389 : i32
        %jit3A_391 = arith.constant 3 : i32
        %eq3A_392 = arith.constant 0 : i32
        %eq3A_393 = arith.cmpi eq, %jit3A_391, %eq3A_392 : i32
        %jit3A_394 = arith.constant 1 : i32
        %select_n3A_395 = arith.select %eq3A_393, %jit3A_394, %jit3A_391 : i32
        %rem3A_396 = arith.remsi %sub3A_390, %select_n3A_395 : i32
        %ne3A_397 = arith.constant 0 : i32
        %ne3A_398 = arith.cmpi ne, %rem3A_396, %ne3A_397 : i32
        %lt3A_399 = arith.constant 0 : i32
        %lt3A_400 = arith.cmpi slt, %rem3A_396, %lt3A_399 : i32
        %lt3A_401 = arith.constant 0 : i32
        %lt3A_402 = arith.cmpi slt, %select_n3A_395, %lt3A_401 : i32
        %ne3A_403 = arith.xori %lt3A_400, %lt3A_402 : i1
        %and3A_404 = arith.andi %ne3A_403, %ne3A_398 : i1
        %add3A_405 = arith.addi %rem3A_396, %select_n3A_395 : i32
        %select_n3A_406 = arith.select %and3A_404, %add3A_405, %rem3A_396 : i32
        %jit3A_407 = arith.constant 4 : i32
        %eq3A_408 = arith.constant 0 : i32
        %eq3A_409 = arith.cmpi eq, %jit3A_407, %eq3A_408 : i32
        %jit3A_410 = arith.constant 1 : i32
        %select_n3A_411 = arith.select %eq3A_409, %jit3A_410, %jit3A_407 : i32
        %rem3A_412 = arith.remsi %sub3A_390, %select_n3A_411 : i32
        %ne3A_413 = arith.constant 0 : i32
        %ne3A_414 = arith.cmpi ne, %rem3A_412, %ne3A_413 : i32
        %lt3A_415 = arith.constant 0 : i32
        %lt3A_416 = arith.cmpi slt, %rem3A_412, %lt3A_415 : i32
        %lt3A_417 = arith.constant 0 : i32
        %lt3A_418 = arith.cmpi slt, %select_n3A_411, %lt3A_417 : i32
        %ne3A_419 = arith.xori %lt3A_416, %lt3A_418 : i1
        %and3A_420 = arith.andi %ne3A_419, %ne3A_414 : i1
        %add3A_421 = arith.addi %rem3A_412, %select_n3A_411 : i32
        %select_n3A_422 = arith.select %and3A_420, %add3A_421, %rem3A_412 : i32
        %jit3A_423 = arith.constant 3 : i32
        %eq3A_424 = arith.constant 0 : i32
        %eq3A_425 = arith.cmpi eq, %jit3A_423, %eq3A_424 : i32
        %jit3A_426 = arith.constant 1 : i32
        %select_n3A_427 = arith.select %eq3A_425, %jit3A_426, %jit3A_423 : i32
        %rem3A_428 = arith.remsi %sub3A_390, %select_n3A_427 : i32
        %ne3A_429 = arith.constant 0 : i32
        %ne3A_430 = arith.cmpi ne, %rem3A_428, %ne3A_429 : i32
        %lt3A_431 = arith.constant 0 : i32
        %lt3A_432 = arith.cmpi slt, %rem3A_428, %lt3A_431 : i32
        %lt3A_433 = arith.constant 0 : i32
        %lt3A_434 = arith.cmpi slt, %select_n3A_427, %lt3A_433 : i32
        %ne3A_435 = arith.xori %lt3A_432, %lt3A_434 : i1
        %and3A_436 = arith.andi %ne3A_435, %ne3A_430 : i1
        %add3A_437 = arith.addi %rem3A_428, %select_n3A_427 : i32
        %select_n3A_438 = arith.select %and3A_436, %add3A_437, %rem3A_428 : i32
        %dma_wait3A_439 = arith.constant 0 : i32
        %dma_wait3A_440 = arith.constant 0 : i32
        %dma_wait3A_441 = tpu.memref_slice %arg12[%select_n3A_406, %dma_wait3A_439, %dma_wait3A_440] : memref<3x80x128xf32, #tpu.memory_space<vmem>> -> memref<1x80x128xf32, #tpu.memory_space<vmem>>
        %dma_wait3A_442 = tpu.memref_squeeze %dma_wait3A_441 : memref<1x80x128xf32, #tpu.memory_space<vmem>> -> memref<80x128xf32, #tpu.memory_space<vmem>>
        %dma_wait3A_443 = arith.constant 0 : i32
        %dma_wait3A_444 = tpu.memref_slice %arg11[%select_n3A_422, %dma_wait3A_443] : memref<4x80xi32, #tpu.memory_space<vmem>> -> memref<1x80xi32, #tpu.memory_space<vmem>>
        %dma_wait3A_445 = tpu.memref_squeeze %dma_wait3A_444 : memref<1x80xi32, #tpu.memory_space<vmem>> -> memref<80xi32, #tpu.memory_space<vmem>>
        %dma_wait3A_446 = arith.constant 0 : i32
        %dma_wait3A_447 = arith.constant 0 : i32
        %dma_wait3A_448 = tpu.memref_slice %arg14[%dma_wait3A_446, %dma_wait3A_447] : memref<10240x128xf32, #tpu.memory_space<vmem_shared>> -> memref<10240x128xf32, #tpu.memory_space<vmem_shared>>
        %dma_wait3A_449 = tpu.memref_slice %arg19[%select_n3A_438] : memref<3x!tpu.dma_semaphore, #tpu.memory_space<semaphore_mem>> -> memref<1x!tpu.dma_semaphore, #tpu.memory_space<semaphore_mem>>
        %dma_wait3A_450 = tpu.memref_squeeze %dma_wait3A_449 : memref<1x!tpu.dma_semaphore, #tpu.memory_space<semaphore_mem>> -> memref<!tpu.dma_semaphore, #tpu.memory_space<semaphore_mem>>
        tpu.wait_indirect_dma semaphore(%dma_wait3A_450 : memref<!tpu.dma_semaphore, #tpu.memory_space<semaphore_mem>>) src(%dma_wait3A_442 : memref<80x128xf32, #tpu.memory_space<vmem>>) dst(%dma_wait3A_448 : memref<10240x128xf32, #tpu.memory_space<vmem_shared>>)
      } else {
      }
      %add3A_182 = arith.constant 2 : i32
      %add3A_183 = arith.addi %scan3A_177, %add3A_182 : i32
      %lt3A = arith.constant 125 : i32
      %lt3A_184 = arith.cmpi slt, %add3A_183, %lt3A : i32
      %convert_element_type3A_185 = arith.extui %lt3A_184 : i1 to i32
      %cond3A_186 = arith.constant 0 : i32
      %cond3A_187 = arith.cmpi ne, %convert_element_type3A_185, %cond3A_186 : i32
      scf.if %cond3A_187 {
        %add3A_349 = arith.constant 2 : i32
        %add3A_350 = arith.addi %scan3A_177, %add3A_349 : i32
        %jit3A_351 = arith.constant 4 : i32
        %eq3A_352 = arith.constant 0 : i32
        %eq3A_353 = arith.cmpi eq, %jit3A_351, %eq3A_352 : i32
        %jit3A_354 = arith.constant 1 : i32
        %select_n3A_355 = arith.select %eq3A_353, %jit3A_354, %jit3A_351 : i32
        %rem3A_356 = arith.remsi %add3A_350, %select_n3A_355 : i32
        %ne3A_357 = arith.constant 0 : i32
        %ne3A_358 = arith.cmpi ne, %rem3A_356, %ne3A_357 : i32
        %lt3A_359 = arith.constant 0 : i32
        %lt3A_360 = arith.cmpi slt, %rem3A_356, %lt3A_359 : i32
        %lt3A_361 = arith.constant 0 : i32
        %lt3A_362 = arith.cmpi slt, %select_n3A_355, %lt3A_361 : i32
        %ne3A_363 = arith.xori %lt3A_360, %lt3A_362 : i1
        %and3A_364 = arith.andi %ne3A_363, %ne3A_358 : i1
        %add3A_365 = arith.addi %rem3A_356, %select_n3A_355 : i32
        %select_n3A_366 = arith.select %and3A_364, %add3A_365, %rem3A_356 : i32
        %mul3A_367 = arith.constant 80 : i32
        %mul3A_368 = arith.muli %add3A_350, %mul3A_367 : i32
        %add3A_369 = arith.addi %mul3A_2, %mul3A_368 : i32
        %dma_start3A_370 = arith.constant 0 : i32
        %dma_start3A_371 = tpu.memref_slice %arg10[%select_n3A_366, %dma_start3A_370] : memref<4x80xi32, #tpu.memory_space<vmem>> -> memref<1x80xi32, #tpu.memory_space<vmem>>
        %dma_start3A_372 = tpu.memref_squeeze %dma_start3A_371 : memref<1x80xi32, #tpu.memory_space<vmem>> -> memref<80xi32, #tpu.memory_space<vmem>>
        %dma_start3A_373 = tpu.memref_slice %arg4[%add3A_369] : memref<160000xi32, #tpu.memory_space<hbm>> -> memref<80xi32, #tpu.memory_space<hbm>>
        %dma_start3A_374 = tpu.memref_slice %arg16[%select_n3A_366] : memref<4x!tpu.dma_semaphore, #tpu.memory_space<semaphore_mem>> -> memref<1x!tpu.dma_semaphore, #tpu.memory_space<semaphore_mem>>
        %dma_start3A_375 = tpu.memref_squeeze %dma_start3A_374 : memref<1x!tpu.dma_semaphore, #tpu.memory_space<semaphore_mem>> -> memref<!tpu.dma_semaphore, #tpu.memory_space<semaphore_mem>>
        %dma_start3A_376 = arith.constant 0 : i32
        %dma_start3A_377 = tpu.memref_slice %arg10[%select_n3A_366, %dma_start3A_376] : memref<4x80xi32, #tpu.memory_space<vmem>> -> memref<1x80xi32, #tpu.memory_space<vmem>>
        %dma_start3A_378 = tpu.memref_squeeze %dma_start3A_377 : memref<1x80xi32, #tpu.memory_space<vmem>> -> memref<80xi32, #tpu.memory_space<vmem>>
        %dma_start3A_379 = tpu.memref_slice %arg4[%add3A_369] : memref<160000xi32, #tpu.memory_space<hbm>> -> memref<80xi32, #tpu.memory_space<hbm>>
        tpu.enqueue_dma source(%dma_start3A_379 : memref<80xi32, #tpu.memory_space<hbm>>) target(%dma_start3A_378 : memref<80xi32, #tpu.memory_space<vmem>>) target_semaphore(%dma_start3A_375 : memref<!tpu.dma_semaphore, #tpu.memory_space<semaphore_mem>>)
        %dma_start3A_380 = arith.constant 0 : i32
        %dma_start3A_381 = tpu.memref_slice %arg11[%select_n3A_366, %dma_start3A_380] : memref<4x80xi32, #tpu.memory_space<vmem>> -> memref<1x80xi32, #tpu.memory_space<vmem>>
        %dma_start3A_382 = tpu.memref_squeeze %dma_start3A_381 : memref<1x80xi32, #tpu.memory_space<vmem>> -> memref<80xi32, #tpu.memory_space<vmem>>
        %dma_start3A_383 = tpu.memref_slice %arg5[%add3A_369] : memref<160000xi32, #tpu.memory_space<hbm>> -> memref<80xi32, #tpu.memory_space<hbm>>
        %dma_start3A_384 = tpu.memref_slice %arg16[%select_n3A_366] : memref<4x!tpu.dma_semaphore, #tpu.memory_space<semaphore_mem>> -> memref<1x!tpu.dma_semaphore, #tpu.memory_space<semaphore_mem>>
        %dma_start3A_385 = tpu.memref_squeeze %dma_start3A_384 : memref<1x!tpu.dma_semaphore, #tpu.memory_space<semaphore_mem>> -> memref<!tpu.dma_semaphore, #tpu.memory_space<semaphore_mem>>
        %dma_start3A_386 = arith.constant 0 : i32
        %dma_start3A_387 = tpu.memref_slice %arg11[%select_n3A_366, %dma_start3A_386] : memref<4x80xi32, #tpu.memory_space<vmem>> -> memref<1x80xi32, #tpu.memory_space<vmem>>
        %dma_start3A_388 = tpu.memref_squeeze %dma_start3A_387 : memref<1x80xi32, #tpu.memory_space<vmem>> -> memref<80xi32, #tpu.memory_space<vmem>>
        %dma_start3A_389 = tpu.memref_slice %arg5[%add3A_369] : memref<160000xi32, #tpu.memory_space<hbm>> -> memref<80xi32, #tpu.memory_space<hbm>>
        tpu.enqueue_dma source(%dma_start3A_389 : memref<80xi32, #tpu.memory_space<hbm>>) target(%dma_start3A_388 : memref<80xi32, #tpu.memory_space<vmem>>) target_semaphore(%dma_start3A_385 : memref<!tpu.dma_semaphore, #tpu.memory_space<semaphore_mem>>)
      } else {
      }
      %add3A_188 = arith.constant 1 : i32
      %add3A_189 = arith.addi %scan3A_177, %add3A_188 : i32
      %lt3A_190 = arith.constant 125 : i32
      %lt3A_191 = arith.cmpi slt, %add3A_189, %lt3A_190 : i32
      %convert_element_type3A_192 = arith.extui %lt3A_191 : i1 to i32
      %cond3A_193 = arith.constant 0 : i32
      %cond3A_194 = arith.cmpi ne, %convert_element_type3A_192, %cond3A_193 : i32
      scf.if %cond3A_194 {
        %add3A_349 = arith.constant 1 : i32
        %add3A_350 = arith.addi %scan3A_177, %add3A_349 : i32
        %jit3A_351 = arith.constant 4 : i32
        %eq3A_352 = arith.constant 0 : i32
        %eq3A_353 = arith.cmpi eq, %jit3A_351, %eq3A_352 : i32
        %jit3A_354 = arith.constant 1 : i32
        %select_n3A_355 = arith.select %eq3A_353, %jit3A_354, %jit3A_351 : i32
        %rem3A_356 = arith.remsi %add3A_350, %select_n3A_355 : i32
        %ne3A_357 = arith.constant 0 : i32
        %ne3A_358 = arith.cmpi ne, %rem3A_356, %ne3A_357 : i32
        %lt3A_359 = arith.constant 0 : i32
        %lt3A_360 = arith.cmpi slt, %rem3A_356, %lt3A_359 : i32
        %lt3A_361 = arith.constant 0 : i32
        %lt3A_362 = arith.cmpi slt, %select_n3A_355, %lt3A_361 : i32
        %ne3A_363 = arith.xori %lt3A_360, %lt3A_362 : i1
        %and3A_364 = arith.andi %ne3A_363, %ne3A_358 : i1
        %add3A_365 = arith.addi %rem3A_356, %select_n3A_355 : i32
        %select_n3A_366 = arith.select %and3A_364, %add3A_365, %rem3A_356 : i32
        %mul3A_367 = arith.constant 80 : i32
        %mul3A_368 = arith.muli %add3A_350, %mul3A_367 : i32
        %add3A_369 = arith.addi %mul3A_2, %mul3A_368 : i32
        %dma_wait3A_370 = arith.constant 0 : i32
        %dma_wait3A_371 = tpu.memref_slice %arg10[%select_n3A_366, %dma_wait3A_370] : memref<4x80xi32, #tpu.memory_space<vmem>> -> memref<1x80xi32, #tpu.memory_space<vmem>>
        %dma_wait3A_372 = tpu.memref_squeeze %dma_wait3A_371 : memref<1x80xi32, #tpu.memory_space<vmem>> -> memref<80xi32, #tpu.memory_space<vmem>>
        %dma_wait3A_373 = tpu.memref_slice %arg4[%add3A_369] : memref<160000xi32, #tpu.memory_space<hbm>> -> memref<80xi32, #tpu.memory_space<hbm>>
        %dma_wait3A_374 = tpu.memref_slice %arg16[%select_n3A_366] : memref<4x!tpu.dma_semaphore, #tpu.memory_space<semaphore_mem>> -> memref<1x!tpu.dma_semaphore, #tpu.memory_space<semaphore_mem>>
        %dma_wait3A_375 = tpu.memref_squeeze %dma_wait3A_374 : memref<1x!tpu.dma_semaphore, #tpu.memory_space<semaphore_mem>> -> memref<!tpu.dma_semaphore, #tpu.memory_space<semaphore_mem>>
        %dma_wait3A_376 = arith.constant 0 : i32
        %dma_wait3A_377 = tpu.memref_slice %arg10[%select_n3A_366, %dma_wait3A_376] : memref<4x80xi32, #tpu.memory_space<vmem>> -> memref<1x80xi32, #tpu.memory_space<vmem>>
        %dma_wait3A_378 = tpu.memref_squeeze %dma_wait3A_377 : memref<1x80xi32, #tpu.memory_space<vmem>> -> memref<80xi32, #tpu.memory_space<vmem>>
        %dma_wait3A_379 = tpu.memref_slice %arg4[%add3A_369] : memref<160000xi32, #tpu.memory_space<hbm>> -> memref<80xi32, #tpu.memory_space<hbm>>
        tpu.wait_dma2 semaphore(%dma_wait3A_375 : memref<!tpu.dma_semaphore, #tpu.memory_space<semaphore_mem>>) src(%dma_wait3A_379 : memref<80xi32, #tpu.memory_space<hbm>>) dst(%dma_wait3A_378 : memref<80xi32, #tpu.memory_space<vmem>>)
        %dma_wait3A_380 = arith.constant 0 : i32
        %dma_wait3A_381 = tpu.memref_slice %arg11[%select_n3A_366, %dma_wait3A_380] : memref<4x80xi32, #tpu.memory_space<vmem>> -> memref<1x80xi32, #tpu.memory_space<vmem>>
        %dma_wait3A_382 = tpu.memref_squeeze %dma_wait3A_381 : memref<1x80xi32, #tpu.memory_space<vmem>> -> memref<80xi32, #tpu.memory_space<vmem>>
        %dma_wait3A_383 = tpu.memref_slice %arg5[%add3A_369] : memref<160000xi32, #tpu.memory_space<hbm>> -> memref<80xi32, #tpu.memory_space<hbm>>
        %dma_wait3A_384 = tpu.memref_slice %arg16[%select_n3A_366] : memref<4x!tpu.dma_semaphore, #tpu.memory_space<semaphore_mem>> -> memref<1x!tpu.dma_semaphore, #tpu.memory_space<semaphore_mem>>
        %dma_wait3A_385 = tpu.memref_squeeze %dma_wait3A_384 : memref<1x!tpu.dma_semaphore, #tpu.memory_space<semaphore_mem>> -> memref<!tpu.dma_semaphore, #tpu.memory_space<semaphore_mem>>
        %dma_wait3A_386 = arith.constant 0 : i32
        %dma_wait3A_387 = tpu.memref_slice %arg11[%select_n3A_366, %dma_wait3A_386] : memref<4x80xi32, #tpu.memory_space<vmem>> -> memref<1x80xi32, #tpu.memory_space<vmem>>
        %dma_wait3A_388 = tpu.memref_squeeze %dma_wait3A_387 : memref<1x80xi32, #tpu.memory_space<vmem>> -> memref<80xi32, #tpu.memory_space<vmem>>
        %dma_wait3A_389 = tpu.memref_slice %arg5[%add3A_369] : memref<160000xi32, #tpu.memory_space<hbm>> -> memref<80xi32, #tpu.memory_space<hbm>>
        tpu.wait_dma2 semaphore(%dma_wait3A_385 : memref<!tpu.dma_semaphore, #tpu.memory_space<semaphore_mem>>) src(%dma_wait3A_389 : memref<80xi32, #tpu.memory_space<hbm>>) dst(%dma_wait3A_388 : memref<80xi32, #tpu.memory_space<vmem>>)
        %add3A_390 = arith.constant 1 : i32
        %add3A_391 = arith.addi %scan3A_177, %add3A_390 : i32
        %eq3A_392 = arith.constant 0 : i32
        %eq3A_393 = arith.cmpi eq, %arg0, %eq3A_392 : i32
        %convert_element_type3A_394 = arith.extui %eq3A_393 : i1 to i32
        %cond3A_395 = arith.constant 0 : i32
        %cond3A_396 = arith.cmpi ne, %convert_element_type3A_394, %cond3A_395 : i32
        scf.if %cond3A_396 {
          %jit3A_402 = arith.constant 4 : i32
          %eq3A_403 = arith.constant 0 : i32
          %eq3A_404 = arith.cmpi eq, %jit3A_402, %eq3A_403 : i32
          %jit3A_405 = arith.constant 1 : i32
          %select_n3A_406 = arith.select %eq3A_404, %jit3A_405, %jit3A_402 : i32
          %rem3A_407 = arith.remsi %add3A_391, %select_n3A_406 : i32
          %ne3A_408 = arith.constant 0 : i32
          %ne3A_409 = arith.cmpi ne, %rem3A_407, %ne3A_408 : i32
          %lt3A_410 = arith.constant 0 : i32
          %lt3A_411 = arith.cmpi slt, %rem3A_407, %lt3A_410 : i32
          %lt3A_412 = arith.constant 0 : i32
          %lt3A_413 = arith.cmpi slt, %select_n3A_406, %lt3A_412 : i32
          %ne3A_414 = arith.xori %lt3A_411, %lt3A_413 : i1
          %and3A_415 = arith.andi %ne3A_414, %ne3A_409 : i1
          %add3A_416 = arith.addi %rem3A_407, %select_n3A_406 : i32
          %select_n3A_417 = arith.select %and3A_415, %add3A_416, %rem3A_407 : i32
          %jit3A_418 = arith.constant 3 : i32
          %eq3A_419 = arith.constant 0 : i32
          %eq3A_420 = arith.cmpi eq, %jit3A_418, %eq3A_419 : i32
          %jit3A_421 = arith.constant 1 : i32
          %select_n3A_422 = arith.select %eq3A_420, %jit3A_421, %jit3A_418 : i32
          %rem3A_423 = arith.remsi %add3A_391, %select_n3A_422 : i32
          %ne3A_424 = arith.constant 0 : i32
          %ne3A_425 = arith.cmpi ne, %rem3A_423, %ne3A_424 : i32
          %lt3A_426 = arith.constant 0 : i32
          %lt3A_427 = arith.cmpi slt, %rem3A_423, %lt3A_426 : i32
          %lt3A_428 = arith.constant 0 : i32
          %lt3A_429 = arith.cmpi slt, %select_n3A_422, %lt3A_428 : i32
          %ne3A_430 = arith.xori %lt3A_427, %lt3A_429 : i1
          %and3A_431 = arith.andi %ne3A_430, %ne3A_425 : i1
          %add3A_432 = arith.addi %rem3A_423, %select_n3A_422 : i32
          %select_n3A_433 = arith.select %and3A_431, %add3A_432, %rem3A_423 : i32
          %jit3A_434 = arith.constant 3 : i32
          %eq3A_435 = arith.constant 0 : i32
          %eq3A_436 = arith.cmpi eq, %jit3A_434, %eq3A_435 : i32
          %jit3A_437 = arith.constant 1 : i32
          %select_n3A_438 = arith.select %eq3A_436, %jit3A_437, %jit3A_434 : i32
          %rem3A_439 = arith.remsi %add3A_391, %select_n3A_438 : i32
          %ne3A_440 = arith.constant 0 : i32
          %ne3A_441 = arith.cmpi ne, %rem3A_439, %ne3A_440 : i32
          %lt3A_442 = arith.constant 0 : i32
          %lt3A_443 = arith.cmpi slt, %rem3A_439, %lt3A_442 : i32
          %lt3A_444 = arith.constant 0 : i32
          %lt3A_445 = arith.cmpi slt, %select_n3A_438, %lt3A_444 : i32
          %ne3A_446 = arith.xori %lt3A_443, %lt3A_445 : i1
          %and3A_447 = arith.andi %ne3A_446, %ne3A_441 : i1
          %add3A_448 = arith.addi %rem3A_439, %select_n3A_438 : i32
          %select_n3A_449 = arith.select %and3A_447, %add3A_448, %rem3A_439 : i32
          %dma_start3A_450 = arith.constant 0 : i32
          %dma_start3A_451 = arith.constant 0 : i32
          %dma_start3A_452 = tpu.memref_slice %arg12[%select_n3A_433, %dma_start3A_450, %dma_start3A_451] : memref<3x80x128xf32, #tpu.memory_space<vmem>> -> memref<1x80x128xf32, #tpu.memory_space<vmem>>
          %dma_start3A_453 = tpu.memref_squeeze %dma_start3A_452 : memref<1x80x128xf32, #tpu.memory_space<vmem>> -> memref<80x128xf32, #tpu.memory_space<vmem>>
          %dma_start3A_454 = arith.constant 0 : i32
          %dma_start3A_455 = tpu.memref_slice %arg10[%select_n3A_417, %dma_start3A_454] : memref<4x80xi32, #tpu.memory_space<vmem>> -> memref<1x80xi32, #tpu.memory_space<vmem>>
          %dma_start3A_456 = tpu.memref_squeeze %dma_start3A_455 : memref<1x80xi32, #tpu.memory_space<vmem>> -> memref<80xi32, #tpu.memory_space<vmem>>
          %dma_start3A_457 = arith.constant 0 : i32
          %dma_start3A_458 = arith.constant 0 : i32
          %dma_start3A_459 = tpu.memref_slice %arg2[%dma_start3A_457, %dma_start3A_458] : memref<10000x128xf32, #tpu.memory_space<hbm>> -> memref<10000x128xf32, #tpu.memory_space<hbm>>
          %dma_start3A_460 = tpu.memref_slice %arg17[%select_n3A_449] : memref<3x!tpu.dma_semaphore, #tpu.memory_space<semaphore_mem>> -> memref<1x!tpu.dma_semaphore, #tpu.memory_space<semaphore_mem>>
          %dma_start3A_461 = tpu.memref_squeeze %dma_start3A_460 : memref<1x!tpu.dma_semaphore, #tpu.memory_space<semaphore_mem>> -> memref<!tpu.dma_semaphore, #tpu.memory_space<semaphore_mem>>
          tpu.enqueue_indirect_dma source(%dma_start3A_459 : memref<10000x128xf32, #tpu.memory_space<hbm>>) target(%dma_start3A_453 : memref<80x128xf32, #tpu.memory_space<vmem>>) offsets(%dma_start3A_456 : memref<80xi32, #tpu.memory_space<vmem>>) semaphore(%dma_start3A_461 : memref<!tpu.dma_semaphore, #tpu.memory_space<semaphore_mem>>)
        } else {
        }
        %eq3A_397 = arith.constant 1 : i32
        %eq3A_398 = arith.cmpi eq, %arg0, %eq3A_397 : i32
        %convert_element_type3A_399 = arith.extui %eq3A_398 : i1 to i32
        %cond3A_400 = arith.constant 0 : i32
        %cond3A_401 = arith.cmpi ne, %convert_element_type3A_399, %cond3A_400 : i32
        scf.if %cond3A_401 {
          %jit3A_402 = arith.constant 4 : i32
          %eq3A_403 = arith.constant 0 : i32
          %eq3A_404 = arith.cmpi eq, %jit3A_402, %eq3A_403 : i32
          %jit3A_405 = arith.constant 1 : i32
          %select_n3A_406 = arith.select %eq3A_404, %jit3A_405, %jit3A_402 : i32
          %rem3A_407 = arith.remsi %add3A_391, %select_n3A_406 : i32
          %ne3A_408 = arith.constant 0 : i32
          %ne3A_409 = arith.cmpi ne, %rem3A_407, %ne3A_408 : i32
          %lt3A_410 = arith.constant 0 : i32
          %lt3A_411 = arith.cmpi slt, %rem3A_407, %lt3A_410 : i32
          %lt3A_412 = arith.constant 0 : i32
          %lt3A_413 = arith.cmpi slt, %select_n3A_406, %lt3A_412 : i32
          %ne3A_414 = arith.xori %lt3A_411, %lt3A_413 : i1
          %and3A_415 = arith.andi %ne3A_414, %ne3A_409 : i1
          %add3A_416 = arith.addi %rem3A_407, %select_n3A_406 : i32
          %select_n3A_417 = arith.select %and3A_415, %add3A_416, %rem3A_407 : i32
          %jit3A_418 = arith.constant 3 : i32
          %eq3A_419 = arith.constant 0 : i32
          %eq3A_420 = arith.cmpi eq, %jit3A_418, %eq3A_419 : i32
          %jit3A_421 = arith.constant 1 : i32
          %select_n3A_422 = arith.select %eq3A_420, %jit3A_421, %jit3A_418 : i32
          %rem3A_423 = arith.remsi %add3A_391, %select_n3A_422 : i32
          %ne3A_424 = arith.constant 0 : i32
          %ne3A_425 = arith.cmpi ne, %rem3A_423, %ne3A_424 : i32
          %lt3A_426 = arith.constant 0 : i32
          %lt3A_427 = arith.cmpi slt, %rem3A_423, %lt3A_426 : i32
          %lt3A_428 = arith.constant 0 : i32
          %lt3A_429 = arith.cmpi slt, %select_n3A_422, %lt3A_428 : i32
          %ne3A_430 = arith.xori %lt3A_427, %lt3A_429 : i1
          %and3A_431 = arith.andi %ne3A_430, %ne3A_425 : i1
          %add3A_432 = arith.addi %rem3A_423, %select_n3A_422 : i32
          %select_n3A_433 = arith.select %and3A_431, %add3A_432, %rem3A_423 : i32
          %jit3A_434 = arith.constant 3 : i32
          %eq3A_435 = arith.constant 0 : i32
          %eq3A_436 = arith.cmpi eq, %jit3A_434, %eq3A_435 : i32
          %jit3A_437 = arith.constant 1 : i32
          %select_n3A_438 = arith.select %eq3A_436, %jit3A_437, %jit3A_434 : i32
          %rem3A_439 = arith.remsi %add3A_391, %select_n3A_438 : i32
          %ne3A_440 = arith.constant 0 : i32
          %ne3A_441 = arith.cmpi ne, %rem3A_439, %ne3A_440 : i32
          %lt3A_442 = arith.constant 0 : i32
          %lt3A_443 = arith.cmpi slt, %rem3A_439, %lt3A_442 : i32
          %lt3A_444 = arith.constant 0 : i32
          %lt3A_445 = arith.cmpi slt, %select_n3A_438, %lt3A_444 : i32
          %ne3A_446 = arith.xori %lt3A_443, %lt3A_445 : i1
          %and3A_447 = arith.andi %ne3A_446, %ne3A_441 : i1
          %add3A_448 = arith.addi %rem3A_439, %select_n3A_438 : i32
          %select_n3A_449 = arith.select %and3A_447, %add3A_448, %rem3A_439 : i32
          %dma_start3A_450 = arith.constant 0 : i32
          %dma_start3A_451 = arith.constant 0 : i32
          %dma_start3A_452 = tpu.memref_slice %arg12[%select_n3A_433, %dma_start3A_450, %dma_start3A_451] : memref<3x80x128xf32, #tpu.memory_space<vmem>> -> memref<1x80x128xf32, #tpu.memory_space<vmem>>
          %dma_start3A_453 = tpu.memref_squeeze %dma_start3A_452 : memref<1x80x128xf32, #tpu.memory_space<vmem>> -> memref<80x128xf32, #tpu.memory_space<vmem>>
          %dma_start3A_454 = arith.constant 0 : i32
          %dma_start3A_455 = tpu.memref_slice %arg10[%select_n3A_417, %dma_start3A_454] : memref<4x80xi32, #tpu.memory_space<vmem>> -> memref<1x80xi32, #tpu.memory_space<vmem>>
          %dma_start3A_456 = tpu.memref_squeeze %dma_start3A_455 : memref<1x80xi32, #tpu.memory_space<vmem>> -> memref<80xi32, #tpu.memory_space<vmem>>
          %dma_start3A_457 = arith.constant 0 : i32
          %dma_start3A_458 = arith.constant 0 : i32
          %dma_start3A_459 = tpu.memref_slice %arg3[%dma_start3A_457, %dma_start3A_458] : memref<10000x128xf32, #tpu.memory_space<hbm>> -> memref<10000x128xf32, #tpu.memory_space<hbm>>
          %dma_start3A_460 = tpu.memref_slice %arg17[%select_n3A_449] : memref<3x!tpu.dma_semaphore, #tpu.memory_space<semaphore_mem>> -> memref<1x!tpu.dma_semaphore, #tpu.memory_space<semaphore_mem>>
          %dma_start3A_461 = tpu.memref_squeeze %dma_start3A_460 : memref<1x!tpu.dma_semaphore, #tpu.memory_space<semaphore_mem>> -> memref<!tpu.dma_semaphore, #tpu.memory_space<semaphore_mem>>
          tpu.enqueue_indirect_dma source(%dma_start3A_459 : memref<10000x128xf32, #tpu.memory_space<hbm>>) target(%dma_start3A_453 : memref<80x128xf32, #tpu.memory_space<vmem>>) offsets(%dma_start3A_456 : memref<80xi32, #tpu.memory_space<vmem>>) semaphore(%dma_start3A_461 : memref<!tpu.dma_semaphore, #tpu.memory_space<semaphore_mem>>)
        } else {
        }
      } else {
      }
      %jit3A = arith.constant 4 : i32
      %eq3A_195 = arith.constant 0 : i32
      %eq3A_196 = arith.cmpi eq, %jit3A, %eq3A_195 : i32
      %jit3A_197 = arith.constant 1 : i32
      %select_n3A = arith.select %eq3A_196, %jit3A_197, %jit3A : i32
      %rem3A = arith.remsi %scan3A_177, %select_n3A : i32
      %ne3A = arith.constant 0 : i32
      %ne3A_198 = arith.cmpi ne, %rem3A, %ne3A : i32
      %lt3A_199 = arith.constant 0 : i32
      %lt3A_200 = arith.cmpi slt, %rem3A, %lt3A_199 : i32
      %lt3A_201 = arith.constant 0 : i32
      %lt3A_202 = arith.cmpi slt, %select_n3A, %lt3A_201 : i32
      %ne3A_203 = arith.xori %lt3A_200, %lt3A_202 : i1
      %and3A = arith.andi %ne3A_203, %ne3A_198 : i1
      %add3A_204 = arith.addi %rem3A, %select_n3A : i32
      %select_n3A_205 = arith.select %and3A, %add3A_204, %rem3A : i32
      %jit3A_206 = arith.constant 3 : i32
      %eq3A_207 = arith.constant 0 : i32
      %eq3A_208 = arith.cmpi eq, %jit3A_206, %eq3A_207 : i32
      %jit3A_209 = arith.constant 1 : i32
      %select_n3A_210 = arith.select %eq3A_208, %jit3A_209, %jit3A_206 : i32
      %rem3A_211 = arith.remsi %scan3A_177, %select_n3A_210 : i32
      %ne3A_212 = arith.constant 0 : i32
      %ne3A_213 = arith.cmpi ne, %rem3A_211, %ne3A_212 : i32
      %lt3A_214 = arith.constant 0 : i32
      %lt3A_215 = arith.cmpi slt, %rem3A_211, %lt3A_214 : i32
      %lt3A_216 = arith.constant 0 : i32
      %lt3A_217 = arith.cmpi slt, %select_n3A_210, %lt3A_216 : i32
      %ne3A_218 = arith.xori %lt3A_215, %lt3A_217 : i1
      %and3A_219 = arith.andi %ne3A_218, %ne3A_213 : i1
      %add3A_220 = arith.addi %rem3A_211, %select_n3A_210 : i32
      %select_n3A_221 = arith.select %and3A_219, %add3A_220, %rem3A_211 : i32
      %jit3A_222 = arith.constant 3 : i32
      %eq3A_223 = arith.constant 0 : i32
      %eq3A_224 = arith.cmpi eq, %jit3A_222, %eq3A_223 : i32
      %jit3A_225 = arith.constant 1 : i32
      %select_n3A_226 = arith.select %eq3A_224, %jit3A_225, %jit3A_222 : i32
      %rem3A_227 = arith.remsi %scan3A_177, %select_n3A_226 : i32
      %ne3A_228 = arith.constant 0 : i32
      %ne3A_229 = arith.cmpi ne, %rem3A_227, %ne3A_228 : i32
      %lt3A_230 = arith.constant 0 : i32
      %lt3A_231 = arith.cmpi slt, %rem3A_227, %lt3A_230 : i32
      %lt3A_232 = arith.constant 0 : i32
      %lt3A_233 = arith.cmpi slt, %select_n3A_226, %lt3A_232 : i32
      %ne3A_234 = arith.xori %lt3A_231, %lt3A_233 : i1
      %and3A_235 = arith.andi %ne3A_234, %ne3A_229 : i1
      %add3A_236 = arith.addi %rem3A_227, %select_n3A_226 : i32
      %select_n3A_237 = arith.select %and3A_235, %add3A_236, %rem3A_227 : i32
      %dma_wait3A_238 = arith.constant 0 : i32
      %dma_wait3A_239 = arith.constant 0 : i32
      %dma_wait3A_240 = tpu.memref_slice %arg12[%select_n3A_221, %dma_wait3A_238, %dma_wait3A_239] : memref<3x80x128xf32, #tpu.memory_space<vmem>> -> memref<1x80x128xf32, #tpu.memory_space<vmem>>
      %dma_wait3A_241 = tpu.memref_squeeze %dma_wait3A_240 : memref<1x80x128xf32, #tpu.memory_space<vmem>> -> memref<80x128xf32, #tpu.memory_space<vmem>>
      %dma_wait3A_242 = arith.constant 0 : i32
      %dma_wait3A_243 = tpu.memref_slice %arg10[%select_n3A_205, %dma_wait3A_242] : memref<4x80xi32, #tpu.memory_space<vmem>> -> memref<1x80xi32, #tpu.memory_space<vmem>>
      %dma_wait3A_244 = tpu.memref_squeeze %dma_wait3A_243 : memref<1x80xi32, #tpu.memory_space<vmem>> -> memref<80xi32, #tpu.memory_space<vmem>>
      %dma_wait3A_245 = arith.constant 0 : i32
      %dma_wait3A_246 = arith.constant 0 : i32
      %dma_wait3A_247 = tpu.memref_slice %arg2[%dma_wait3A_245, %dma_wait3A_246] : memref<10000x128xf32, #tpu.memory_space<hbm>> -> memref<10000x128xf32, #tpu.memory_space<hbm>>
      %dma_wait3A_248 = tpu.memref_slice %arg17[%select_n3A_237] : memref<3x!tpu.dma_semaphore, #tpu.memory_space<semaphore_mem>> -> memref<1x!tpu.dma_semaphore, #tpu.memory_space<semaphore_mem>>
      %dma_wait3A_249 = tpu.memref_squeeze %dma_wait3A_248 : memref<1x!tpu.dma_semaphore, #tpu.memory_space<semaphore_mem>> -> memref<!tpu.dma_semaphore, #tpu.memory_space<semaphore_mem>>
      tpu.wait_indirect_dma semaphore(%dma_wait3A_249 : memref<!tpu.dma_semaphore, #tpu.memory_space<semaphore_mem>>) src(%dma_wait3A_247 : memref<10000x128xf32, #tpu.memory_space<hbm>>) dst(%dma_wait3A_241 : memref<80x128xf32, #tpu.memory_space<vmem>>)
      %jit3A_250 = arith.constant 3 : i32
      %eq3A_251 = arith.constant 0 : i32
      %eq3A_252 = arith.cmpi eq, %jit3A_250, %eq3A_251 : i32
      %jit3A_253 = arith.constant 1 : i32
      %select_n3A_254 = arith.select %eq3A_252, %jit3A_253, %jit3A_250 : i32
      %rem3A_255 = arith.remsi %scan3A_177, %select_n3A_254 : i32
      %ne3A_256 = arith.constant 0 : i32
      %ne3A_257 = arith.cmpi ne, %rem3A_255, %ne3A_256 : i32
      %lt3A_258 = arith.constant 0 : i32
      %lt3A_259 = arith.cmpi slt, %rem3A_255, %lt3A_258 : i32
      %lt3A_260 = arith.constant 0 : i32
      %lt3A_261 = arith.cmpi slt, %select_n3A_254, %lt3A_260 : i32
      %ne3A_262 = arith.xori %lt3A_259, %lt3A_261 : i1
      %and3A_263 = arith.andi %ne3A_262, %ne3A_257 : i1
      %add3A_264 = arith.addi %rem3A_255, %select_n3A_254 : i32
      %select_n3A_265 = arith.select %and3A_263, %add3A_264, %rem3A_255 : i32
      %jit3A_266 = arith.constant 4 : i32
      %eq3A_267 = arith.constant 0 : i32
      %eq3A_268 = arith.cmpi eq, %jit3A_266, %eq3A_267 : i32
      %jit3A_269 = arith.constant 1 : i32
      %select_n3A_270 = arith.select %eq3A_268, %jit3A_269, %jit3A_266 : i32
      %rem3A_271 = arith.remsi %scan3A_177, %select_n3A_270 : i32
      %ne3A_272 = arith.constant 0 : i32
      %ne3A_273 = arith.cmpi ne, %rem3A_271, %ne3A_272 : i32
      %lt3A_274 = arith.constant 0 : i32
      %lt3A_275 = arith.cmpi slt, %rem3A_271, %lt3A_274 : i32
      %lt3A_276 = arith.constant 0 : i32
      %lt3A_277 = arith.cmpi slt, %select_n3A_270, %lt3A_276 : i32
      %ne3A_278 = arith.xori %lt3A_275, %lt3A_277 : i1
      %and3A_279 = arith.andi %ne3A_278, %ne3A_273 : i1
      %add3A_280 = arith.addi %rem3A_271, %select_n3A_270 : i32
      %select_n3A_281 = arith.select %and3A_279, %add3A_280, %rem3A_271 : i32
      %jit3A_282 = arith.constant 3 : i32
      %eq3A_283 = arith.constant 0 : i32
      %eq3A_284 = arith.cmpi eq, %jit3A_282, %eq3A_283 : i32
      %jit3A_285 = arith.constant 1 : i32
      %select_n3A_286 = arith.select %eq3A_284, %jit3A_285, %jit3A_282 : i32
      %rem3A_287 = arith.remsi %scan3A_177, %select_n3A_286 : i32
      %ne3A_288 = arith.constant 0 : i32
      %ne3A_289 = arith.cmpi ne, %rem3A_287, %ne3A_288 : i32
      %lt3A_290 = arith.constant 0 : i32
      %lt3A_291 = arith.cmpi slt, %rem3A_287, %lt3A_290 : i32
      %lt3A_292 = arith.constant 0 : i32
      %lt3A_293 = arith.cmpi slt, %select_n3A_286, %lt3A_292 : i32
      %ne3A_294 = arith.xori %lt3A_291, %lt3A_293 : i1
      %and3A_295 = arith.andi %ne3A_294, %ne3A_289 : i1
      %add3A_296 = arith.addi %rem3A_287, %select_n3A_286 : i32
      %select_n3A_297 = arith.select %and3A_295, %add3A_296, %rem3A_287 : i32
      %dma_start3A_298 = arith.constant 0 : i32
      %dma_start3A_299 = arith.constant 0 : i32
      %dma_start3A_300 = tpu.memref_slice %arg12[%select_n3A_265, %dma_start3A_298, %dma_start3A_299] : memref<3x80x128xf32, #tpu.memory_space<vmem>> -> memref<1x80x128xf32, #tpu.memory_space<vmem>>
      %dma_start3A_301 = tpu.memref_squeeze %dma_start3A_300 : memref<1x80x128xf32, #tpu.memory_space<vmem>> -> memref<80x128xf32, #tpu.memory_space<vmem>>
      %dma_start3A_302 = arith.constant 0 : i32
      %dma_start3A_303 = tpu.memref_slice %arg11[%select_n3A_281, %dma_start3A_302] : memref<4x80xi32, #tpu.memory_space<vmem>> -> memref<1x80xi32, #tpu.memory_space<vmem>>
      %dma_start3A_304 = tpu.memref_squeeze %dma_start3A_303 : memref<1x80xi32, #tpu.memory_space<vmem>> -> memref<80xi32, #tpu.memory_space<vmem>>
      %dma_start3A_305 = arith.constant 0 : i32
      %dma_start3A_306 = arith.constant 0 : i32
      %dma_start3A_307 = tpu.memref_slice %arg14[%dma_start3A_305, %dma_start3A_306] : memref<10240x128xf32, #tpu.memory_space<vmem_shared>> -> memref<10240x128xf32, #tpu.memory_space<vmem_shared>>
      %dma_start3A_308 = tpu.memref_slice %arg19[%select_n3A_297] : memref<3x!tpu.dma_semaphore, #tpu.memory_space<semaphore_mem>> -> memref<1x!tpu.dma_semaphore, #tpu.memory_space<semaphore_mem>>
      %dma_start3A_309 = tpu.memref_squeeze %dma_start3A_308 : memref<1x!tpu.dma_semaphore, #tpu.memory_space<semaphore_mem>> -> memref<!tpu.dma_semaphore, #tpu.memory_space<semaphore_mem>>
      tpu.enqueue_indirect_dma source(%dma_start3A_301 : memref<80x128xf32, #tpu.memory_space<vmem>>) target(%dma_start3A_307 : memref<10240x128xf32, #tpu.memory_space<vmem_shared>>) offsets(%dma_start3A_304 : memref<80xi32, #tpu.memory_space<vmem>>) semaphore(%dma_start3A_309 : memref<!tpu.dma_semaphore, #tpu.memory_space<semaphore_mem>>) {add = true}
      %jit3A_310 = arith.constant 4 : i32
      %eq3A_311 = arith.constant 0 : i32
      %eq3A_312 = arith.cmpi eq, %jit3A_310, %eq3A_311 : i32
      %jit3A_313 = arith.constant 1 : i32
      %select_n3A_314 = arith.select %eq3A_312, %jit3A_313, %jit3A_310 : i32
      %rem3A_315 = arith.remsi %scan3A_177, %select_n3A_314 : i32
      %ne3A_316 = arith.constant 0 : i32
      %ne3A_317 = arith.cmpi ne, %rem3A_315, %ne3A_316 : i32
      %lt3A_318 = arith.constant 0 : i32
      %lt3A_319 = arith.cmpi slt, %rem3A_315, %lt3A_318 : i32
      %lt3A_320 = arith.constant 0 : i32
      %lt3A_321 = arith.cmpi slt, %select_n3A_314, %lt3A_320 : i32
      %ne3A_322 = arith.xori %lt3A_319, %lt3A_321 : i1
      %and3A_323 = arith.andi %ne3A_322, %ne3A_317 : i1
      %add3A_324 = arith.addi %rem3A_315, %select_n3A_314 : i32
      %select_n3A_325 = arith.select %and3A_323, %add3A_324, %rem3A_315 : i32
      %jit3A_326 = arith.constant 4 : i32
      %eq3A_327 = arith.constant 0 : i32
      %eq3A_328 = arith.cmpi eq, %jit3A_326, %eq3A_327 : i32
      %jit3A_329 = arith.constant 1 : i32
      %select_n3A_330 = arith.select %eq3A_328, %jit3A_329, %jit3A_326 : i32
      %rem3A_331 = arith.remsi %scan3A_177, %select_n3A_330 : i32
      %ne3A_332 = arith.constant 0 : i32
      %ne3A_333 = arith.cmpi ne, %rem3A_331, %ne3A_332 : i32
      %lt3A_334 = arith.constant 0 : i32
      %lt3A_335 = arith.cmpi slt, %rem3A_331, %lt3A_334 : i32
      %lt3A_336 = arith.constant 0 : i32
      %lt3A_337 = arith.cmpi slt, %select_n3A_330, %lt3A_336 : i32
      %ne3A_338 = arith.xori %lt3A_335, %lt3A_337 : i1
      %and3A_339 = arith.andi %ne3A_338, %ne3A_333 : i1
      %add3A_340 = arith.addi %rem3A_331, %select_n3A_330 : i32
      %select_n3A_341 = arith.select %and3A_339, %add3A_340, %rem3A_331 : i32
      %dma_start3A_342 = arith.constant 0 : i32
      %dma_start3A_343 = tpu.memref_slice %arg11[%select_n3A_325, %dma_start3A_342] : memref<4x80xi32, #tpu.memory_space<vmem>> -> memref<1x80xi32, #tpu.memory_space<vmem>>
      %dma_start3A_344 = tpu.memref_squeeze %dma_start3A_343 : memref<1x80xi32, #tpu.memory_space<vmem>> -> memref<80xi32, #tpu.memory_space<vmem>>
      %dma_start3A_345 = arith.constant 0 : i32
      %dma_start3A_346 = tpu.memref_slice %arg15[%dma_start3A_345] : memref<10240xf32, #tpu.memory_space<vmem_shared>> -> memref<10240xf32, #tpu.memory_space<vmem_shared>>
      %dma_start3A_347 = tpu.memref_slice %arg18[%select_n3A_341] : memref<4x!tpu.dma_semaphore, #tpu.memory_space<semaphore_mem>> -> memref<1x!tpu.dma_semaphore, #tpu.memory_space<semaphore_mem>>
      %dma_start3A_348 = tpu.memref_squeeze %dma_start3A_347 : memref<1x!tpu.dma_semaphore, #tpu.memory_space<semaphore_mem>> -> memref<!tpu.dma_semaphore, #tpu.memory_space<semaphore_mem>>
      tpu.enqueue_indirect_dma source(%arg13 : memref<80xf32, #tpu.memory_space<vmem>>) target(%dma_start3A_346 : memref<10240xf32, #tpu.memory_space<vmem_shared>>) offsets(%dma_start3A_344 : memref<80xi32, #tpu.memory_space<vmem>>) semaphore(%dma_start3A_348 : memref<!tpu.dma_semaphore, #tpu.memory_space<semaphore_mem>>) {add = true}
    }
    %scan3A_122 = arith.constant 125 : i32
    %dma_wait3A_123 = arith.constant 0 : i32
    %dma_wait3A_124 = arith.constant 3 : i32
    %dma_wait3A_125 = arith.constant 0 : i32
    %dma_wait3A_126 = arith.constant 0 : i32
    %dma_wait3A_127 = arith.constant 0 : i32
    %dma_wait3A_128 = tpu.memref_slice %arg12[%dma_wait3A_123, %dma_wait3A_126, %dma_wait3A_127] : memref<3x80x128xf32, #tpu.memory_space<vmem>> -> memref<1x80x128xf32, #tpu.memory_space<vmem>>
    %dma_wait3A_129 = tpu.memref_squeeze %dma_wait3A_128 : memref<1x80x128xf32, #tpu.memory_space<vmem>> -> memref<80x128xf32, #tpu.memory_space<vmem>>
    %dma_wait3A_130 = arith.constant 0 : i32
    %dma_wait3A_131 = tpu.memref_slice %arg11[%dma_wait3A_124, %dma_wait3A_130] : memref<4x80xi32, #tpu.memory_space<vmem>> -> memref<1x80xi32, #tpu.memory_space<vmem>>
    %dma_wait3A_132 = tpu.memref_squeeze %dma_wait3A_131 : memref<1x80xi32, #tpu.memory_space<vmem>> -> memref<80xi32, #tpu.memory_space<vmem>>
    %dma_wait3A_133 = arith.constant 0 : i32
    %dma_wait3A_134 = arith.constant 0 : i32
    %dma_wait3A_135 = tpu.memref_slice %arg14[%dma_wait3A_133, %dma_wait3A_134] : memref<10240x128xf32, #tpu.memory_space<vmem_shared>> -> memref<10240x128xf32, #tpu.memory_space<vmem_shared>>
    %dma_wait3A_136 = tpu.memref_slice %arg19[%dma_wait3A_125] : memref<3x!tpu.dma_semaphore, #tpu.memory_space<semaphore_mem>> -> memref<1x!tpu.dma_semaphore, #tpu.memory_space<semaphore_mem>>
    %dma_wait3A_137 = tpu.memref_squeeze %dma_wait3A_136 : memref<1x!tpu.dma_semaphore, #tpu.memory_space<semaphore_mem>> -> memref<!tpu.dma_semaphore, #tpu.memory_space<semaphore_mem>>
    tpu.wait_indirect_dma semaphore(%dma_wait3A_137 : memref<!tpu.dma_semaphore, #tpu.memory_space<semaphore_mem>>) src(%dma_wait3A_129 : memref<80x128xf32, #tpu.memory_space<vmem>>) dst(%dma_wait3A_135 : memref<10240x128xf32, #tpu.memory_space<vmem_shared>>)
    %dma_wait3A_138 = arith.constant 1 : i32
    %dma_wait3A_139 = arith.constant 0 : i32
    %dma_wait3A_140 = arith.constant 1 : i32
    %dma_wait3A_141 = arith.constant 0 : i32
    %dma_wait3A_142 = arith.constant 0 : i32
    %dma_wait3A_143 = tpu.memref_slice %arg12[%dma_wait3A_138, %dma_wait3A_141, %dma_wait3A_142] : memref<3x80x128xf32, #tpu.memory_space<vmem>> -> memref<1x80x128xf32, #tpu.memory_space<vmem>>
    %dma_wait3A_144 = tpu.memref_squeeze %dma_wait3A_143 : memref<1x80x128xf32, #tpu.memory_space<vmem>> -> memref<80x128xf32, #tpu.memory_space<vmem>>
    %dma_wait3A_145 = arith.constant 0 : i32
    %dma_wait3A_146 = tpu.memref_slice %arg11[%dma_wait3A_139, %dma_wait3A_145] : memref<4x80xi32, #tpu.memory_space<vmem>> -> memref<1x80xi32, #tpu.memory_space<vmem>>
    %dma_wait3A_147 = tpu.memref_squeeze %dma_wait3A_146 : memref<1x80xi32, #tpu.memory_space<vmem>> -> memref<80xi32, #tpu.memory_space<vmem>>
    %dma_wait3A_148 = arith.constant 0 : i32
    %dma_wait3A_149 = arith.constant 0 : i32
    %dma_wait3A_150 = tpu.memref_slice %arg14[%dma_wait3A_148, %dma_wait3A_149] : memref<10240x128xf32, #tpu.memory_space<vmem_shared>> -> memref<10240x128xf32, #tpu.memory_space<vmem_shared>>
    %dma_wait3A_151 = tpu.memref_slice %arg19[%dma_wait3A_140] : memref<3x!tpu.dma_semaphore, #tpu.memory_space<semaphore_mem>> -> memref<1x!tpu.dma_semaphore, #tpu.memory_space<semaphore_mem>>
    %dma_wait3A_152 = tpu.memref_squeeze %dma_wait3A_151 : memref<1x!tpu.dma_semaphore, #tpu.memory_space<semaphore_mem>> -> memref<!tpu.dma_semaphore, #tpu.memory_space<semaphore_mem>>
    tpu.wait_indirect_dma semaphore(%dma_wait3A_152 : memref<!tpu.dma_semaphore, #tpu.memory_space<semaphore_mem>>) src(%dma_wait3A_144 : memref<80x128xf32, #tpu.memory_space<vmem>>) dst(%dma_wait3A_150 : memref<10240x128xf32, #tpu.memory_space<vmem_shared>>)
    %dma_wait3A_153 = arith.constant 3 : i32
    %dma_wait3A_154 = arith.constant 3 : i32
    %dma_wait3A_155 = arith.constant 0 : i32
    %dma_wait3A_156 = tpu.memref_slice %arg11[%dma_wait3A_153, %dma_wait3A_155] : memref<4x80xi32, #tpu.memory_space<vmem>> -> memref<1x80xi32, #tpu.memory_space<vmem>>
    %dma_wait3A_157 = tpu.memref_squeeze %dma_wait3A_156 : memref<1x80xi32, #tpu.memory_space<vmem>> -> memref<80xi32, #tpu.memory_space<vmem>>
    %dma_wait3A_158 = arith.constant 0 : i32
    %dma_wait3A_159 = tpu.memref_slice %arg15[%dma_wait3A_158] : memref<10240xf32, #tpu.memory_space<vmem_shared>> -> memref<10240xf32, #tpu.memory_space<vmem_shared>>
    %dma_wait3A_160 = tpu.memref_slice %arg18[%dma_wait3A_154] : memref<4x!tpu.dma_semaphore, #tpu.memory_space<semaphore_mem>> -> memref<1x!tpu.dma_semaphore, #tpu.memory_space<semaphore_mem>>
    %dma_wait3A_161 = tpu.memref_squeeze %dma_wait3A_160 : memref<1x!tpu.dma_semaphore, #tpu.memory_space<semaphore_mem>> -> memref<!tpu.dma_semaphore, #tpu.memory_space<semaphore_mem>>
    tpu.wait_indirect_dma semaphore(%dma_wait3A_161 : memref<!tpu.dma_semaphore, #tpu.memory_space<semaphore_mem>>) src(%arg13 : memref<80xf32, #tpu.memory_space<vmem>>) dst(%dma_wait3A_159 : memref<10240xf32, #tpu.memory_space<vmem_shared>>)
    %dma_wait3A_162 = arith.constant 0 : i32
    %dma_wait3A_163 = arith.constant 0 : i32
    %dma_wait3A_164 = arith.constant 0 : i32
    %dma_wait3A_165 = tpu.memref_slice %arg11[%dma_wait3A_162, %dma_wait3A_164] : memref<4x80xi32, #tpu.memory_space<vmem>> -> memref<1x80xi32, #tpu.memory_space<vmem>>
    %dma_wait3A_166 = tpu.memref_squeeze %dma_wait3A_165 : memref<1x80xi32, #tpu.memory_space<vmem>> -> memref<80xi32, #tpu.memory_space<vmem>>
    %dma_wait3A_167 = arith.constant 0 : i32
    %dma_wait3A_168 = tpu.memref_slice %arg15[%dma_wait3A_167] : memref<10240xf32, #tpu.memory_space<vmem_shared>> -> memref<10240xf32, #tpu.memory_space<vmem_shared>>
    %dma_wait3A_169 = tpu.memref_slice %arg18[%dma_wait3A_163] : memref<4x!tpu.dma_semaphore, #tpu.memory_space<semaphore_mem>> -> memref<1x!tpu.dma_semaphore, #tpu.memory_space<semaphore_mem>>
    %dma_wait3A_170 = tpu.memref_squeeze %dma_wait3A_169 : memref<1x!tpu.dma_semaphore, #tpu.memory_space<semaphore_mem>> -> memref<!tpu.dma_semaphore, #tpu.memory_space<semaphore_mem>>
    tpu.wait_indirect_dma semaphore(%dma_wait3A_170 : memref<!tpu.dma_semaphore, #tpu.memory_space<semaphore_mem>>) src(%arg13 : memref<80xf32, #tpu.memory_space<vmem>>) dst(%dma_wait3A_168 : memref<10240xf32, #tpu.memory_space<vmem_shared>>)
    %barrier3A_171 = arith.constant 0 : index
    tpu.barrier barrier_id(%barrier3A_171)
    "tpu.region"() ({
      %run_scoped3A = tpu.sem_alloc : memref<!tpu.dma_semaphore, #tpu.memory_space<semaphore_mem>>
      %dma_start3A_177 = arith.constant 0 : i32
      %dma_start3A_178 = tpu.memref_slice %arg8[%arg0, %mul3A_0, %dma_start3A_177] : memref<2x10240x128xf32, #tpu.memory_space<hbm>> -> memref<1x640x128xf32, #tpu.memory_space<hbm>>
      %dma_start3A_179 = tpu.memref_squeeze %dma_start3A_178 : memref<1x640x128xf32, #tpu.memory_space<hbm>> -> memref<640x128xf32, #tpu.memory_space<hbm>>
      %dma_start3A_180 = arith.constant 0 : i32
      %dma_start3A_181 = tpu.memref_slice %arg14[%mul3A_0, %dma_start3A_180] : memref<10240x128xf32, #tpu.memory_space<vmem_shared>> -> memref<640x128xf32, #tpu.memory_space<vmem_shared>>
      tpu.enqueue_dma source(%dma_start3A_181 : memref<640x128xf32, #tpu.memory_space<vmem_shared>>) target(%dma_start3A_179 : memref<640x128xf32, #tpu.memory_space<hbm>>) target_semaphore(%run_scoped3A : memref<!tpu.dma_semaphore, #tpu.memory_space<semaphore_mem>>)
      %dma_wait3A_182 = arith.constant 0 : i32
      %dma_wait3A_183 = tpu.memref_slice %arg8[%arg0, %mul3A_0, %dma_wait3A_182] : memref<2x10240x128xf32, #tpu.memory_space<hbm>> -> memref<1x640x128xf32, #tpu.memory_space<hbm>>
      %dma_wait3A_184 = tpu.memref_squeeze %dma_wait3A_183 : memref<1x640x128xf32, #tpu.memory_space<hbm>> -> memref<640x128xf32, #tpu.memory_space<hbm>>
      %dma_wait3A_185 = arith.constant 0 : i32
      %dma_wait3A_186 = tpu.memref_slice %arg14[%mul3A_0, %dma_wait3A_185] : memref<10240x128xf32, #tpu.memory_space<vmem_shared>> -> memref<640x128xf32, #tpu.memory_space<vmem_shared>>
      tpu.wait_dma2 semaphore(%run_scoped3A : memref<!tpu.dma_semaphore, #tpu.memory_space<semaphore_mem>>) src(%dma_wait3A_186 : memref<640x128xf32, #tpu.memory_space<vmem_shared>>) dst(%dma_wait3A_184 : memref<640x128xf32, #tpu.memory_space<hbm>>)
      tpu.yield
    }) : () -> ()
    %eq3A_172 = arith.constant 0 : i32
    %eq3A_173 = arith.cmpi eq, %arg1, %eq3A_172 : i32
    %convert_element_type3A_174 = arith.extui %eq3A_173 : i1 to i32
    %cond3A_175 = arith.constant 0 : i32
    %cond3A_176 = arith.cmpi ne, %convert_element_type3A_174, %cond3A_175 : i32
    scf.if %cond3A_176 {
      %run_scoped3A = arith.constant 0 : i32
      "tpu.region"() ({
        %run_scoped3A_177 = tpu.sem_alloc : memref<!tpu.dma_semaphore, #tpu.memory_space<semaphore_mem>>
        %dma_start3A_178 = arith.constant 0 : i32
        %dma_start3A_179 = tpu.memref_slice %arg9[%arg0, %run_scoped3A, %dma_start3A_178] : memref<2x1x10240xf32, #tpu.memory_space<hbm>> -> memref<1x1x10240xf32, #tpu.memory_space<hbm>>
        %dma_start3A_180 = tpu.memref_squeeze %dma_start3A_179 : memref<1x1x10240xf32, #tpu.memory_space<hbm>> -> memref<10240xf32, #tpu.memory_space<hbm>>
        tpu.enqueue_dma source(%arg15 : memref<10240xf32, #tpu.memory_space<vmem_shared>>) target(%dma_start3A_180 : memref<10240xf32, #tpu.memory_space<hbm>>) target_semaphore(%run_scoped3A_177 : memref<!tpu.dma_semaphore, #tpu.memory_space<semaphore_mem>>)
        %dma_wait3A_181 = arith.constant 0 : i32
        %dma_wait3A_182 = tpu.memref_slice %arg9[%arg0, %run_scoped3A, %dma_wait3A_181] : memref<2x1x10240xf32, #tpu.memory_space<hbm>> -> memref<1x1x10240xf32, #tpu.memory_space<hbm>>
        %dma_wait3A_183 = tpu.memref_squeeze %dma_wait3A_182 : memref<1x1x10240xf32, #tpu.memory_space<hbm>> -> memref<10240xf32, #tpu.memory_space<hbm>>
        tpu.wait_dma2 semaphore(%run_scoped3A_177 : memref<!tpu.dma_semaphore, #tpu.memory_space<semaphore_mem>>) src(%arg15 : memref<10240xf32, #tpu.memory_space<vmem_shared>>) dst(%dma_wait3A_183 : memref<10240xf32, #tpu.memory_space<hbm>>)
        tpu.yield
      }) : () -> ()
    } else {
    }
    return
  }
}

#map = affine_map<(d0, d1) -> (0)>
#map1 = affine_map<(d0, d1) -> (0, 0, 0)>
module attributes {stable_mosaic.version = 14 : i64} {
  func.func @_odeg_kernel(%arg0: i32, %arg1: i32, %arg2: memref<160000xi32, #tpu.memory_space<hbm>>, %arg3: memref<2x1x10240xf32, #tpu.memory_space<hbm>>, %arg4: memref<2x1x10240xf32, #tpu.memory_space<hbm>>, %arg5: memref<4x40xi32, #tpu.memory_space<vmem>>, %arg6: memref<48xf32, #tpu.memory_space<vmem>>, %arg7: memref<10240xf32, #tpu.memory_space<vmem_shared>>, %arg8: memref<4x!tpu.dma_semaphore, #tpu.memory_space<semaphore_mem>>, %arg9: memref<4x!tpu.dma_semaphore, #tpu.memory_space<semaphore_mem>>) attributes {dimension_semantics = [#tpu.dimension_semantics<core_parallel>, #tpu.dimension_semantics<subcore_parallel>], iteration_bounds = array<i64: 2, 16>, scalar_prefetch = 0 : i64, scratch_operands = 5 : i64, tpu.core_type = #tpu.core_type<sc_vector_subcore>, window_params = [{transform_indices = #map}, {transform_indices = #map1}, {transform_indices = #map1}]} {
    %broadcast_in_dim3A = arith.constant 1.000000e+00 : f32
    %broadcast_in_dim3A_0 = vector.broadcast %broadcast_in_dim3A : f32 to vector<16xf32>
    %swap3A = arith.constant 0 : index
    %swap3A_1 = tpu.vector_load %arg6[%swap3A] {strides = array<i32>} : memref<48xf32, #tpu.memory_space<vmem>>, vector<16xf32>,
    %swap3A_2 = vector.shape_cast %swap3A_1 : vector<16xf32> to vector<16xf32>
    %swap3A_3 = vector.shape_cast %broadcast_in_dim3A_0 : vector<16xf32> to vector<16xf32>
    tpu.vector_store %arg6[%swap3A], %swap3A_3 {strides = array<i32>} : memref<48xf32, #tpu.memory_space<vmem>>, vector<16xf32>,
    %broadcast_in_dim3A_4 = arith.constant 1.000000e+00 : f32
    %broadcast_in_dim3A_5 = vector.broadcast %broadcast_in_dim3A_4 : f32 to vector<16xf32>
    %swap3A_6 = arith.constant 16 : index
    %swap3A_7 = tpu.vector_load %arg6[%swap3A_6] {strides = array<i32>} : memref<48xf32, #tpu.memory_space<vmem>>, vector<16xf32>,
    %swap3A_8 = vector.shape_cast %swap3A_7 : vector<16xf32> to vector<16xf32>
    %swap3A_9 = vector.shape_cast %broadcast_in_dim3A_5 : vector<16xf32> to vector<16xf32>
    tpu.vector_store %arg6[%swap3A_6], %swap3A_9 {strides = array<i32>} : memref<48xf32, #tpu.memory_space<vmem>>, vector<16xf32>,
    %broadcast_in_dim3A_10 = arith.constant 1.000000e+00 : f32
    %broadcast_in_dim3A_11 = vector.broadcast %broadcast_in_dim3A_10 : f32 to vector<16xf32>
    %swap3A_12 = arith.constant 32 : index
    %swap3A_13 = tpu.vector_load %arg6[%swap3A_12] {strides = array<i32>} : memref<48xf32, #tpu.memory_space<vmem>>, vector<16xf32>,
    %swap3A_14 = vector.shape_cast %swap3A_13 : vector<16xf32> to vector<16xf32>
    %swap3A_15 = vector.shape_cast %broadcast_in_dim3A_11 : vector<16xf32> to vector<16xf32>
    tpu.vector_store %arg6[%swap3A_12], %swap3A_15 {strides = array<i32>} : memref<48xf32, #tpu.memory_space<vmem>>, vector<16xf32>,
    %mul3A = arith.constant 16 : i32
    %mul3A_16 = arith.muli %arg0, %mul3A : i32
    %add3A = arith.addi %mul3A_16, %arg1 : i32
    %mul3A_17 = arith.constant 5000 : i32
    %mul3A_18 = arith.muli %add3A, %mul3A_17 : i32
    %add3A_19 = arith.constant 0 : i32
    %add3A_20 = arith.addi %mul3A_18, %add3A_19 : i32
    %dma_start3A = arith.constant 0 : i32
    %dma_start3A_21 = arith.constant 0 : i32
    %dma_start3A_22 = arith.constant 0 : i32
    %dma_start3A_23 = tpu.memref_slice %arg5[%dma_start3A, %dma_start3A_22] : memref<4x40xi32, #tpu.memory_space<vmem>> -> memref<1x40xi32, #tpu.memory_space<vmem>>
    %dma_start3A_24 = tpu.memref_squeeze %dma_start3A_23 : memref<1x40xi32, #tpu.memory_space<vmem>> -> memref<40xi32, #tpu.memory_space<vmem>>
    %dma_start3A_25 = tpu.memref_slice %arg2[%add3A_20] : memref<160000xi32, #tpu.memory_space<hbm>> -> memref<40xi32, #tpu.memory_space<hbm>>
    %dma_start3A_26 = tpu.memref_slice %arg8[%dma_start3A_21] : memref<4x!tpu.dma_semaphore, #tpu.memory_space<semaphore_mem>> -> memref<1x!tpu.dma_semaphore, #tpu.memory_space<semaphore_mem>>
    %dma_start3A_27 = tpu.memref_squeeze %dma_start3A_26 : memref<1x!tpu.dma_semaphore, #tpu.memory_space<semaphore_mem>> -> memref<!tpu.dma_semaphore, #tpu.memory_space<semaphore_mem>>
    %dma_start3A_28 = arith.constant 0 : i32
    %dma_start3A_29 = tpu.memref_slice %arg5[%dma_start3A, %dma_start3A_28] : memref<4x40xi32, #tpu.memory_space<vmem>> -> memref<1x40xi32, #tpu.memory_space<vmem>>
    %dma_start3A_30 = tpu.memref_squeeze %dma_start3A_29 : memref<1x40xi32, #tpu.memory_space<vmem>> -> memref<40xi32, #tpu.memory_space<vmem>>
    %dma_start3A_31 = tpu.memref_slice %arg2[%add3A_20] : memref<160000xi32, #tpu.memory_space<hbm>> -> memref<40xi32, #tpu.memory_space<hbm>>
    tpu.enqueue_dma source(%dma_start3A_31 : memref<40xi32, #tpu.memory_space<hbm>>) target(%dma_start3A_30 : memref<40xi32, #tpu.memory_space<vmem>>) target_semaphore(%dma_start3A_27 : memref<!tpu.dma_semaphore, #tpu.memory_space<semaphore_mem>>)
    %add3A_32 = arith.constant 40 : i32
    %add3A_33 = arith.addi %mul3A_18, %add3A_32 : i32
    %dma_start3A_34 = arith.constant 1 : i32
    %dma_start3A_35 = arith.constant 1 : i32
    %dma_start3A_36 = arith.constant 0 : i32
    %dma_start3A_37 = tpu.memref_slice %arg5[%dma_start3A_34, %dma_start3A_36] : memref<4x40xi32, #tpu.memory_space<vmem>> -> memref<1x40xi32, #tpu.memory_space<vmem>>
    %dma_start3A_38 = tpu.memref_squeeze %dma_start3A_37 : memref<1x40xi32, #tpu.memory_space<vmem>> -> memref<40xi32, #tpu.memory_space<vmem>>
    %dma_start3A_39 = tpu.memref_slice %arg2[%add3A_33] : memref<160000xi32, #tpu.memory_space<hbm>> -> memref<40xi32, #tpu.memory_space<hbm>>
    %dma_start3A_40 = tpu.memref_slice %arg8[%dma_start3A_35] : memref<4x!tpu.dma_semaphore, #tpu.memory_space<semaphore_mem>> -> memref<1x!tpu.dma_semaphore, #tpu.memory_space<semaphore_mem>>
    %dma_start3A_41 = tpu.memref_squeeze %dma_start3A_40 : memref<1x!tpu.dma_semaphore, #tpu.memory_space<semaphore_mem>> -> memref<!tpu.dma_semaphore, #tpu.memory_space<semaphore_mem>>
    %dma_start3A_42 = arith.constant 0 : i32
    %dma_start3A_43 = tpu.memref_slice %arg5[%dma_start3A_34, %dma_start3A_42] : memref<4x40xi32, #tpu.memory_space<vmem>> -> memref<1x40xi32, #tpu.memory_space<vmem>>
    %dma_start3A_44 = tpu.memref_squeeze %dma_start3A_43 : memref<1x40xi32, #tpu.memory_space<vmem>> -> memref<40xi32, #tpu.memory_space<vmem>>
    %dma_start3A_45 = tpu.memref_slice %arg2[%add3A_33] : memref<160000xi32, #tpu.memory_space<hbm>> -> memref<40xi32, #tpu.memory_space<hbm>>
    tpu.enqueue_dma source(%dma_start3A_45 : memref<40xi32, #tpu.memory_space<hbm>>) target(%dma_start3A_44 : memref<40xi32, #tpu.memory_space<vmem>>) target_semaphore(%dma_start3A_41 : memref<!tpu.dma_semaphore, #tpu.memory_space<semaphore_mem>>)
    %eq3A = arith.constant 0 : i32
    %eq3A_46 = arith.cmpi eq, %arg1, %eq3A : i32
    %convert_element_type3A = arith.extui %eq3A_46 : i1 to i32
    %cond3A = arith.constant 0 : i32
    %cond3A_47 = arith.cmpi ne, %convert_element_type3A, %cond3A : i32
    scf.if %cond3A_47 {
      %run_scoped3A = arith.constant 0 : i32
      "tpu.region"() ({
        %run_scoped3A_80 = tpu.sem_alloc : memref<!tpu.dma_semaphore, #tpu.memory_space<semaphore_mem>>
        %dma_start3A_81 = arith.constant 0 : i32
        %dma_start3A_82 = tpu.memref_slice %arg3[%arg0, %run_scoped3A, %dma_start3A_81] : memref<2x1x10240xf32, #tpu.memory_space<hbm>> -> memref<1x1x10240xf32, #tpu.memory_space<hbm>>
        %dma_start3A_83 = tpu.memref_squeeze %dma_start3A_82 : memref<1x1x10240xf32, #tpu.memory_space<hbm>> -> memref<10240xf32, #tpu.memory_space<hbm>>
        tpu.enqueue_dma source(%dma_start3A_83 : memref<10240xf32, #tpu.memory_space<hbm>>) target(%arg7 : memref<10240xf32, #tpu.memory_space<vmem_shared>>) target_semaphore(%run_scoped3A_80 : memref<!tpu.dma_semaphore, #tpu.memory_space<semaphore_mem>>)
        %dma_wait3A_84 = arith.constant 0 : i32
        %dma_wait3A_85 = tpu.memref_slice %arg3[%arg0, %run_scoped3A, %dma_wait3A_84] : memref<2x1x10240xf32, #tpu.memory_space<hbm>> -> memref<1x1x10240xf32, #tpu.memory_space<hbm>>
        %dma_wait3A_86 = tpu.memref_squeeze %dma_wait3A_85 : memref<1x1x10240xf32, #tpu.memory_space<hbm>> -> memref<10240xf32, #tpu.memory_space<hbm>>
        tpu.wait_dma2 semaphore(%run_scoped3A_80 : memref<!tpu.dma_semaphore, #tpu.memory_space<semaphore_mem>>) src(%dma_wait3A_86 : memref<10240xf32, #tpu.memory_space<hbm>>) dst(%arg7 : memref<10240xf32, #tpu.memory_space<vmem_shared>>)
        tpu.yield
      }) : () -> ()
    } else {
    }
    %barrier3A = arith.constant 0 : index
    tpu.barrier barrier_id(%barrier3A)
    %scan3A = arith.constant 0 : i32
    %scan3A_48 = arith.constant 0 : i32
    %scan3A_49 = arith.constant 125 : i32
    %scan3A_50 = arith.addi %scan3A_48, %scan3A_49 : i32
    %scan3A_51 = arith.constant 1 : i32
    scf.for %scan3A_80 = %scan3A_48 to %scan3A_50 step %scan3A_51  : i32 {
      %ge3A = arith.constant 2 : i32
      %ge3A_81 = arith.cmpi sge, %scan3A_80, %ge3A : i32
      %convert_element_type3A_82 = arith.extui %ge3A_81 : i1 to i32
      %cond3A_83 = arith.constant 0 : i32
      %cond3A_84 = arith.cmpi ne, %convert_element_type3A_82, %cond3A_83 : i32
      scf.if %cond3A_84 {
        %sub3A = arith.constant 2 : i32
        %sub3A_172 = arith.subi %scan3A_80, %sub3A : i32
        %jit3A_173 = arith.constant 4 : i32
        %eq3A_174 = arith.constant 0 : i32
        %eq3A_175 = arith.cmpi eq, %jit3A_173, %eq3A_174 : i32
        %jit3A_176 = arith.constant 1 : i32
        %select_n3A_177 = arith.select %eq3A_175, %jit3A_176, %jit3A_173 : i32
        %rem3A_178 = arith.remsi %sub3A_172, %select_n3A_177 : i32
        %ne3A_179 = arith.constant 0 : i32
        %ne3A_180 = arith.cmpi ne, %rem3A_178, %ne3A_179 : i32
        %lt3A_181 = arith.constant 0 : i32
        %lt3A_182 = arith.cmpi slt, %rem3A_178, %lt3A_181 : i32
        %lt3A_183 = arith.constant 0 : i32
        %lt3A_184 = arith.cmpi slt, %select_n3A_177, %lt3A_183 : i32
        %ne3A_185 = arith.xori %lt3A_182, %lt3A_184 : i1
        %and3A_186 = arith.andi %ne3A_185, %ne3A_180 : i1
        %add3A_187 = arith.addi %rem3A_178, %select_n3A_177 : i32
        %select_n3A_188 = arith.select %and3A_186, %add3A_187, %rem3A_178 : i32
        %jit3A_189 = arith.constant 4 : i32
        %eq3A_190 = arith.constant 0 : i32
        %eq3A_191 = arith.cmpi eq, %jit3A_189, %eq3A_190 : i32
        %jit3A_192 = arith.constant 1 : i32
        %select_n3A_193 = arith.select %eq3A_191, %jit3A_192, %jit3A_189 : i32
        %rem3A_194 = arith.remsi %sub3A_172, %select_n3A_193 : i32
        %ne3A_195 = arith.constant 0 : i32
        %ne3A_196 = arith.cmpi ne, %rem3A_194, %ne3A_195 : i32
        %lt3A_197 = arith.constant 0 : i32
        %lt3A_198 = arith.cmpi slt, %rem3A_194, %lt3A_197 : i32
        %lt3A_199 = arith.constant 0 : i32
        %lt3A_200 = arith.cmpi slt, %select_n3A_193, %lt3A_199 : i32
        %ne3A_201 = arith.xori %lt3A_198, %lt3A_200 : i1
        %and3A_202 = arith.andi %ne3A_201, %ne3A_196 : i1
        %add3A_203 = arith.addi %rem3A_194, %select_n3A_193 : i32
        %select_n3A_204 = arith.select %and3A_202, %add3A_203, %rem3A_194 : i32
        %dma_wait3A_205 = arith.constant 0 : i32
        %dma_wait3A_206 = tpu.memref_slice %arg6[%dma_wait3A_205] : memref<48xf32, #tpu.memory_space<vmem>> -> memref<40xf32, #tpu.memory_space<vmem>>
        %dma_wait3A_207 = arith.constant 0 : i32
        %dma_wait3A_208 = tpu.memref_slice %arg5[%select_n3A_188, %dma_wait3A_207] : memref<4x40xi32, #tpu.memory_space<vmem>> -> memref<1x40xi32, #tpu.memory_space<vmem>>
        %dma_wait3A_209 = tpu.memref_squeeze %dma_wait3A_208 : memref<1x40xi32, #tpu.memory_space<vmem>> -> memref<40xi32, #tpu.memory_space<vmem>>
        %dma_wait3A_210 = arith.constant 0 : i32
        %dma_wait3A_211 = tpu.memref_slice %arg7[%dma_wait3A_210] : memref<10240xf32, #tpu.memory_space<vmem_shared>> -> memref<10240xf32, #tpu.memory_space<vmem_shared>>
        %dma_wait3A_212 = tpu.memref_slice %arg9[%select_n3A_204] : memref<4x!tpu.dma_semaphore, #tpu.memory_space<semaphore_mem>> -> memref<1x!tpu.dma_semaphore, #tpu.memory_space<semaphore_mem>>
        %dma_wait3A_213 = tpu.memref_squeeze %dma_wait3A_212 : memref<1x!tpu.dma_semaphore, #tpu.memory_space<semaphore_mem>> -> memref<!tpu.dma_semaphore, #tpu.memory_space<semaphore_mem>>
        tpu.wait_indirect_dma semaphore(%dma_wait3A_213 : memref<!tpu.dma_semaphore, #tpu.memory_space<semaphore_mem>>) src(%dma_wait3A_206 : memref<40xf32, #tpu.memory_space<vmem>>) dst(%dma_wait3A_211 : memref<10240xf32, #tpu.memory_space<vmem_shared>>)
      } else {
      }
      %add3A_85 = arith.constant 2 : i32
      %add3A_86 = arith.addi %scan3A_80, %add3A_85 : i32
      %lt3A = arith.constant 125 : i32
      %lt3A_87 = arith.cmpi slt, %add3A_86, %lt3A : i32
      %convert_element_type3A_88 = arith.extui %lt3A_87 : i1 to i32
      %cond3A_89 = arith.constant 0 : i32
      %cond3A_90 = arith.cmpi ne, %convert_element_type3A_88, %cond3A_89 : i32
      scf.if %cond3A_90 {
        %add3A_172 = arith.constant 2 : i32
        %add3A_173 = arith.addi %scan3A_80, %add3A_172 : i32
        %mul3A_174 = arith.constant 40 : i32
        %mul3A_175 = arith.muli %add3A_173, %mul3A_174 : i32
        %add3A_176 = arith.addi %mul3A_18, %mul3A_175 : i32
        %jit3A_177 = arith.constant 4 : i32
        %eq3A_178 = arith.constant 0 : i32
        %eq3A_179 = arith.cmpi eq, %jit3A_177, %eq3A_178 : i32
        %jit3A_180 = arith.constant 1 : i32
        %select_n3A_181 = arith.select %eq3A_179, %jit3A_180, %jit3A_177 : i32
        %rem3A_182 = arith.remsi %add3A_173, %select_n3A_181 : i32
        %ne3A_183 = arith.constant 0 : i32
        %ne3A_184 = arith.cmpi ne, %rem3A_182, %ne3A_183 : i32
        %lt3A_185 = arith.constant 0 : i32
        %lt3A_186 = arith.cmpi slt, %rem3A_182, %lt3A_185 : i32
        %lt3A_187 = arith.constant 0 : i32
        %lt3A_188 = arith.cmpi slt, %select_n3A_181, %lt3A_187 : i32
        %ne3A_189 = arith.xori %lt3A_186, %lt3A_188 : i1
        %and3A_190 = arith.andi %ne3A_189, %ne3A_184 : i1
        %add3A_191 = arith.addi %rem3A_182, %select_n3A_181 : i32
        %select_n3A_192 = arith.select %and3A_190, %add3A_191, %rem3A_182 : i32
        %jit3A_193 = arith.constant 4 : i32
        %eq3A_194 = arith.constant 0 : i32
        %eq3A_195 = arith.cmpi eq, %jit3A_193, %eq3A_194 : i32
        %jit3A_196 = arith.constant 1 : i32
        %select_n3A_197 = arith.select %eq3A_195, %jit3A_196, %jit3A_193 : i32
        %rem3A_198 = arith.remsi %add3A_173, %select_n3A_197 : i32
        %ne3A_199 = arith.constant 0 : i32
        %ne3A_200 = arith.cmpi ne, %rem3A_198, %ne3A_199 : i32
        %lt3A_201 = arith.constant 0 : i32
        %lt3A_202 = arith.cmpi slt, %rem3A_198, %lt3A_201 : i32
        %lt3A_203 = arith.constant 0 : i32
        %lt3A_204 = arith.cmpi slt, %select_n3A_197, %lt3A_203 : i32
        %ne3A_205 = arith.xori %lt3A_202, %lt3A_204 : i1
        %and3A_206 = arith.andi %ne3A_205, %ne3A_200 : i1
        %add3A_207 = arith.addi %rem3A_198, %select_n3A_197 : i32
        %select_n3A_208 = arith.select %and3A_206, %add3A_207, %rem3A_198 : i32
        %dma_start3A_209 = arith.constant 0 : i32
        %dma_start3A_210 = tpu.memref_slice %arg5[%select_n3A_192, %dma_start3A_209] : memref<4x40xi32, #tpu.memory_space<vmem>> -> memref<1x40xi32, #tpu.memory_space<vmem>>
        %dma_start3A_211 = tpu.memref_squeeze %dma_start3A_210 : memref<1x40xi32, #tpu.memory_space<vmem>> -> memref<40xi32, #tpu.memory_space<vmem>>
        %dma_start3A_212 = tpu.memref_slice %arg2[%add3A_176] : memref<160000xi32, #tpu.memory_space<hbm>> -> memref<40xi32, #tpu.memory_space<hbm>>
        %dma_start3A_213 = tpu.memref_slice %arg8[%select_n3A_208] : memref<4x!tpu.dma_semaphore, #tpu.memory_space<semaphore_mem>> -> memref<1x!tpu.dma_semaphore, #tpu.memory_space<semaphore_mem>>
        %dma_start3A_214 = tpu.memref_squeeze %dma_start3A_213 : memref<1x!tpu.dma_semaphore, #tpu.memory_space<semaphore_mem>> -> memref<!tpu.dma_semaphore, #tpu.memory_space<semaphore_mem>>
        %dma_start3A_215 = arith.constant 0 : i32
        %dma_start3A_216 = tpu.memref_slice %arg5[%select_n3A_192, %dma_start3A_215] : memref<4x40xi32, #tpu.memory_space<vmem>> -> memref<1x40xi32, #tpu.memory_space<vmem>>
        %dma_start3A_217 = tpu.memref_squeeze %dma_start3A_216 : memref<1x40xi32, #tpu.memory_space<vmem>> -> memref<40xi32, #tpu.memory_space<vmem>>
        %dma_start3A_218 = tpu.memref_slice %arg2[%add3A_176] : memref<160000xi32, #tpu.memory_space<hbm>> -> memref<40xi32, #tpu.memory_space<hbm>>
        tpu.enqueue_dma source(%dma_start3A_218 : memref<40xi32, #tpu.memory_space<hbm>>) target(%dma_start3A_217 : memref<40xi32, #tpu.memory_space<vmem>>) target_semaphore(%dma_start3A_214 : memref<!tpu.dma_semaphore, #tpu.memory_space<semaphore_mem>>)
      } else {
      }
      %mul3A_91 = arith.constant 40 : i32
      %mul3A_92 = arith.muli %scan3A_80, %mul3A_91 : i32
      %add3A_93 = arith.addi %mul3A_18, %mul3A_92 : i32
      %jit3A = arith.constant 4 : i32
      %eq3A_94 = arith.constant 0 : i32
      %eq3A_95 = arith.cmpi eq, %jit3A, %eq3A_94 : i32
      %jit3A_96 = arith.constant 1 : i32
      %select_n3A = arith.select %eq3A_95, %jit3A_96, %jit3A : i32
      %rem3A = arith.remsi %scan3A_80, %select_n3A : i32
      %ne3A = arith.constant 0 : i32
      %ne3A_97 = arith.cmpi ne, %rem3A, %ne3A : i32
      %lt3A_98 = arith.constant 0 : i32
      %lt3A_99 = arith.cmpi slt, %rem3A, %lt3A_98 : i32
      %lt3A_100 = arith.constant 0 : i32
      %lt3A_101 = arith.cmpi slt, %select_n3A, %lt3A_100 : i32
      %ne3A_102 = arith.xori %lt3A_99, %lt3A_101 : i1
      %and3A = arith.andi %ne3A_102, %ne3A_97 : i1
      %add3A_103 = arith.addi %rem3A, %select_n3A : i32
      %select_n3A_104 = arith.select %and3A, %add3A_103, %rem3A : i32
      %jit3A_105 = arith.constant 4 : i32
      %eq3A_106 = arith.constant 0 : i32
      %eq3A_107 = arith.cmpi eq, %jit3A_105, %eq3A_106 : i32
      %jit3A_108 = arith.constant 1 : i32
      %select_n3A_109 = arith.select %eq3A_107, %jit3A_108, %jit3A_105 : i32
      %rem3A_110 = arith.remsi %scan3A_80, %select_n3A_109 : i32
      %ne3A_111 = arith.constant 0 : i32
      %ne3A_112 = arith.cmpi ne, %rem3A_110, %ne3A_111 : i32
      %lt3A_113 = arith.constant 0 : i32
      %lt3A_114 = arith.cmpi slt, %rem3A_110, %lt3A_113 : i32
      %lt3A_115 = arith.constant 0 : i32
      %lt3A_116 = arith.cmpi slt, %select_n3A_109, %lt3A_115 : i32
      %ne3A_117 = arith.xori %lt3A_114, %lt3A_116 : i1
      %and3A_118 = arith.andi %ne3A_117, %ne3A_112 : i1
      %add3A_119 = arith.addi %rem3A_110, %select_n3A_109 : i32
      %select_n3A_120 = arith.select %and3A_118, %add3A_119, %rem3A_110 : i32
      %dma_wait3A_121 = arith.constant 0 : i32
      %dma_wait3A_122 = tpu.memref_slice %arg5[%select_n3A_104, %dma_wait3A_121] : memref<4x40xi32, #tpu.memory_space<vmem>> -> memref<1x40xi32, #tpu.memory_space<vmem>>
      %dma_wait3A_123 = tpu.memref_squeeze %dma_wait3A_122 : memref<1x40xi32, #tpu.memory_space<vmem>> -> memref<40xi32, #tpu.memory_space<vmem>>
      %dma_wait3A_124 = tpu.memref_slice %arg2[%add3A_93] : memref<160000xi32, #tpu.memory_space<hbm>> -> memref<40xi32, #tpu.memory_space<hbm>>
      %dma_wait3A_125 = tpu.memref_slice %arg8[%select_n3A_120] : memref<4x!tpu.dma_semaphore, #tpu.memory_space<semaphore_mem>> -> memref<1x!tpu.dma_semaphore, #tpu.memory_space<semaphore_mem>>
      %dma_wait3A_126 = tpu.memref_squeeze %dma_wait3A_125 : memref<1x!tpu.dma_semaphore, #tpu.memory_space<semaphore_mem>> -> memref<!tpu.dma_semaphore, #tpu.memory_space<semaphore_mem>>
      %dma_wait3A_127 = arith.constant 0 : i32
      %dma_wait3A_128 = tpu.memref_slice %arg5[%select_n3A_104, %dma_wait3A_127] : memref<4x40xi32, #tpu.memory_space<vmem>> -> memref<1x40xi32, #tpu.memory_space<vmem>>
      %dma_wait3A_129 = tpu.memref_squeeze %dma_wait3A_128 : memref<1x40xi32, #tpu.memory_space<vmem>> -> memref<40xi32, #tpu.memory_space<vmem>>
      %dma_wait3A_130 = tpu.memref_slice %arg2[%add3A_93] : memref<160000xi32, #tpu.memory_space<hbm>> -> memref<40xi32, #tpu.memory_space<hbm>>
      tpu.wait_dma2 semaphore(%dma_wait3A_126 : memref<!tpu.dma_semaphore, #tpu.memory_space<semaphore_mem>>) src(%dma_wait3A_130 : memref<40xi32, #tpu.memory_space<hbm>>) dst(%dma_wait3A_129 : memref<40xi32, #tpu.memory_space<vmem>>)
      %jit3A_131 = arith.constant 4 : i32
      %eq3A_132 = arith.constant 0 : i32
      %eq3A_133 = arith.cmpi eq, %jit3A_131, %eq3A_132 : i32
      %jit3A_134 = arith.constant 1 : i32
      %select_n3A_135 = arith.select %eq3A_133, %jit3A_134, %jit3A_131 : i32
      %rem3A_136 = arith.remsi %scan3A_80, %select_n3A_135 : i32
      %ne3A_137 = arith.constant 0 : i32
      %ne3A_138 = arith.cmpi ne, %rem3A_136, %ne3A_137 : i32
      %lt3A_139 = arith.constant 0 : i32
      %lt3A_140 = arith.cmpi slt, %rem3A_136, %lt3A_139 : i32
      %lt3A_141 = arith.constant 0 : i32
      %lt3A_142 = arith.cmpi slt, %select_n3A_135, %lt3A_141 : i32
      %ne3A_143 = arith.xori %lt3A_140, %lt3A_142 : i1
      %and3A_144 = arith.andi %ne3A_143, %ne3A_138 : i1
      %add3A_145 = arith.addi %rem3A_136, %select_n3A_135 : i32
      %select_n3A_146 = arith.select %and3A_144, %add3A_145, %rem3A_136 : i32
      %jit3A_147 = arith.constant 4 : i32
      %eq3A_148 = arith.constant 0 : i32
      %eq3A_149 = arith.cmpi eq, %jit3A_147, %eq3A_148 : i32
      %jit3A_150 = arith.constant 1 : i32
      %select_n3A_151 = arith.select %eq3A_149, %jit3A_150, %jit3A_147 : i32
      %rem3A_152 = arith.remsi %scan3A_80, %select_n3A_151 : i32
      %ne3A_153 = arith.constant 0 : i32
      %ne3A_154 = arith.cmpi ne, %rem3A_152, %ne3A_153 : i32
      %lt3A_155 = arith.constant 0 : i32
      %lt3A_156 = arith.cmpi slt, %rem3A_152, %lt3A_155 : i32
      %lt3A_157 = arith.constant 0 : i32
      %lt3A_158 = arith.cmpi slt, %select_n3A_151, %lt3A_157 : i32
      %ne3A_159 = arith.xori %lt3A_156, %lt3A_158 : i1
      %and3A_160 = arith.andi %ne3A_159, %ne3A_154 : i1
      %add3A_161 = arith.addi %rem3A_152, %select_n3A_151 : i32
      %select_n3A_162 = arith.select %and3A_160, %add3A_161, %rem3A_152 : i32
      %dma_start3A_163 = arith.constant 0 : i32
      %dma_start3A_164 = tpu.memref_slice %arg6[%dma_start3A_163] : memref<48xf32, #tpu.memory_space<vmem>> -> memref<40xf32, #tpu.memory_space<vmem>>
      %dma_start3A_165 = arith.constant 0 : i32
      %dma_start3A_166 = tpu.memref_slice %arg5[%select_n3A_146, %dma_start3A_165] : memref<4x40xi32, #tpu.memory_space<vmem>> -> memref<1x40xi32, #tpu.memory_space<vmem>>
      %dma_start3A_167 = tpu.memref_squeeze %dma_start3A_166 : memref<1x40xi32, #tpu.memory_space<vmem>> -> memref<40xi32, #tpu.memory_space<vmem>>
      %dma_start3A_168 = arith.constant 0 : i32
      %dma_start3A_169 = tpu.memref_slice %arg7[%dma_start3A_168] : memref<10240xf32, #tpu.memory_space<vmem_shared>> -> memref<10240xf32, #tpu.memory_space<vmem_shared>>
      %dma_start3A_170 = tpu.memref_slice %arg9[%select_n3A_162] : memref<4x!tpu.dma_semaphore, #tpu.memory_space<semaphore_mem>> -> memref<1x!tpu.dma_semaphore, #tpu.memory_space<semaphore_mem>>
      %dma_start3A_171 = tpu.memref_squeeze %dma_start3A_170 : memref<1x!tpu.dma_semaphore, #tpu.memory_space<semaphore_mem>> -> memref<!tpu.dma_semaphore, #tpu.memory_space<semaphore_mem>>
      tpu.enqueue_indirect_dma source(%dma_start3A_164 : memref<40xf32, #tpu.memory_space<vmem>>) target(%dma_start3A_169 : memref<10240xf32, #tpu.memory_space<vmem_shared>>) offsets(%dma_start3A_167 : memref<40xi32, #tpu.memory_space<vmem>>) semaphore(%dma_start3A_171 : memref<!tpu.dma_semaphore, #tpu.memory_space<semaphore_mem>>) {add = true}
    }
    %scan3A_52 = arith.constant 125 : i32
    %dma_wait3A = arith.constant 3 : i32
    %dma_wait3A_53 = arith.constant 3 : i32
    %dma_wait3A_54 = arith.constant 0 : i32
    %dma_wait3A_55 = tpu.memref_slice %arg6[%dma_wait3A_54] : memref<48xf32, #tpu.memory_space<vmem>> -> memref<40xf32, #tpu.memory_space<vmem>>
    %dma_wait3A_56 = arith.constant 0 : i32
    %dma_wait3A_57 = tpu.memref_slice %arg5[%dma_wait3A, %dma_wait3A_56] : memref<4x40xi32, #tpu.memory_space<vmem>> -> memref<1x40xi32, #tpu.memory_space<vmem>>
    %dma_wait3A_58 = tpu.memref_squeeze %dma_wait3A_57 : memref<1x40xi32, #tpu.memory_space<vmem>> -> memref<40xi32, #tpu.memory_space<vmem>>
    %dma_wait3A_59 = arith.constant 0 : i32
    %dma_wait3A_60 = tpu.memref_slice %arg7[%dma_wait3A_59] : memref<10240xf32, #tpu.memory_space<vmem_shared>> -> memref<10240xf32, #tpu.memory_space<vmem_shared>>
    %dma_wait3A_61 = tpu.memref_slice %arg9[%dma_wait3A_53] : memref<4x!tpu.dma_semaphore, #tpu.memory_space<semaphore_mem>> -> memref<1x!tpu.dma_semaphore, #tpu.memory_space<semaphore_mem>>
    %dma_wait3A_62 = tpu.memref_squeeze %dma_wait3A_61 : memref<1x!tpu.dma_semaphore, #tpu.memory_space<semaphore_mem>> -> memref<!tpu.dma_semaphore, #tpu.memory_space<semaphore_mem>>
    tpu.wait_indirect_dma semaphore(%dma_wait3A_62 : memref<!tpu.dma_semaphore, #tpu.memory_space<semaphore_mem>>) src(%dma_wait3A_55 : memref<40xf32, #tpu.memory_space<vmem>>) dst(%dma_wait3A_60 : memref<10240xf32, #tpu.memory_space<vmem_shared>>)
    %dma_wait3A_63 = arith.constant 0 : i32
    %dma_wait3A_64 = arith.constant 0 : i32
    %dma_wait3A_65 = arith.constant 0 : i32
    %dma_wait3A_66 = tpu.memref_slice %arg6[%dma_wait3A_65] : memref<48xf32, #tpu.memory_space<vmem>> -> memref<40xf32, #tpu.memory_space<vmem>>
    %dma_wait3A_67 = arith.constant 0 : i32
    %dma_wait3A_68 = tpu.memref_slice %arg5[%dma_wait3A_63, %dma_wait3A_67] : memref<4x40xi32, #tpu.memory_space<vmem>> -> memref<1x40xi32, #tpu.memory_space<vmem>>
    %dma_wait3A_69 = tpu.memref_squeeze %dma_wait3A_68 : memref<1x40xi32, #tpu.memory_space<vmem>> -> memref<40xi32, #tpu.memory_space<vmem>>
    %dma_wait3A_70 = arith.constant 0 : i32
    %dma_wait3A_71 = tpu.memref_slice %arg7[%dma_wait3A_70] : memref<10240xf32, #tpu.memory_space<vmem_shared>> -> memref<10240xf32, #tpu.memory_space<vmem_shared>>
    %dma_wait3A_72 = tpu.memref_slice %arg9[%dma_wait3A_64] : memref<4x!tpu.dma_semaphore, #tpu.memory_space<semaphore_mem>> -> memref<1x!tpu.dma_semaphore, #tpu.memory_space<semaphore_mem>>
    %dma_wait3A_73 = tpu.memref_squeeze %dma_wait3A_72 : memref<1x!tpu.dma_semaphore, #tpu.memory_space<semaphore_mem>> -> memref<!tpu.dma_semaphore, #tpu.memory_space<semaphore_mem>>
    tpu.wait_indirect_dma semaphore(%dma_wait3A_73 : memref<!tpu.dma_semaphore, #tpu.memory_space<semaphore_mem>>) src(%dma_wait3A_66 : memref<40xf32, #tpu.memory_space<vmem>>) dst(%dma_wait3A_71 : memref<10240xf32, #tpu.memory_space<vmem_shared>>)
    %barrier3A_74 = arith.constant 0 : index
    tpu.barrier barrier_id(%barrier3A_74)
    %eq3A_75 = arith.constant 0 : i32
    %eq3A_76 = arith.cmpi eq, %arg1, %eq3A_75 : i32
    %convert_element_type3A_77 = arith.extui %eq3A_76 : i1 to i32
    %cond3A_78 = arith.constant 0 : i32
    %cond3A_79 = arith.cmpi ne, %convert_element_type3A_77, %cond3A_78 : i32
    scf.if %cond3A_79 {
      %run_scoped3A = arith.constant 0 : i32
      "tpu.region"() ({
        %run_scoped3A_80 = tpu.sem_alloc : memref<!tpu.dma_semaphore, #tpu.memory_space<semaphore_mem>>
        %dma_start3A_81 = arith.constant 0 : i32
        %dma_start3A_82 = tpu.memref_slice %arg4[%arg0, %run_scoped3A, %dma_start3A_81] : memref<2x1x10240xf32, #tpu.memory_space<hbm>> -> memref<1x1x10240xf32, #tpu.memory_space<hbm>>
        %dma_start3A_83 = tpu.memref_squeeze %dma_start3A_82 : memref<1x1x10240xf32, #tpu.memory_space<hbm>> -> memref<10240xf32, #tpu.memory_space<hbm>>
        tpu.enqueue_dma source(%arg7 : memref<10240xf32, #tpu.memory_space<vmem_shared>>) target(%dma_start3A_83 : memref<10240xf32, #tpu.memory_space<hbm>>) target_semaphore(%run_scoped3A_80 : memref<!tpu.dma_semaphore, #tpu.memory_space<semaphore_mem>>)
        %dma_wait3A_84 = arith.constant 0 : i32
        %dma_wait3A_85 = tpu.memref_slice %arg4[%arg0, %run_scoped3A, %dma_wait3A_84] : memref<2x1x10240xf32, #tpu.memory_space<hbm>> -> memref<1x1x10240xf32, #tpu.memory_space<hbm>>
        %dma_wait3A_86 = tpu.memref_squeeze %dma_wait3A_85 : memref<1x1x10240xf32, #tpu.memory_space<hbm>> -> memref<10240xf32, #tpu.memory_space<hbm>>
        tpu.wait_dma2 semaphore(%run_scoped3A_80 : memref<!tpu.dma_semaphore, #tpu.memory_space<semaphore_mem>>) src(%arg7 : memref<10240xf32, #tpu.memory_space<vmem_shared>>) dst(%dma_wait3A_86 : memref<10240xf32, #tpu.memory_space<hbm>>)
        tpu.yield
      }) : () -> ()
    } else {
    }
    return
  }
}

module attributes {stable_mosaic.version = 14 : i64} {
  func.func @_scale_body(%arg0: i32, %arg1: memref<1000x256xf32, #tpu.memory_space<vmem>>, %arg2: memref<2x1000x1xf32, #tpu.memory_space<vmem>>, %arg3: memref<1000x128xf32, #tpu.memory_space<vmem>>, %arg4: memref<1000x128xf32, #tpu.memory_space<vmem>>, %arg5: memref<2x1024x128xf32, #tpu.memory_space<vmem>>) attributes {dimension_semantics = [#tpu.dimension_semantics<arbitrary>], iteration_bounds = array<i64: 10>, scalar_prefetch = 0 : i64, scratch_operands = 0 : i64, tpu.core_type = #tpu.core_type<tc>, window_params = [{transform_indices = @transform_0, window_bounds = array<i64: 1000, 256>}, {transform_indices = @transform_1, window_bounds = array<i64: 2, 1000, 1>}, {transform_indices = @transform_2, window_bounds = array<i64: 1000, 128>}, {transform_indices = @transform_3, window_bounds = array<i64: 1000, 128>}, {transform_indices = @transform_4, window_bounds = array<i64: 2, 1024, 128>}]} {
    %get3A = arith.constant 0 : index
    %get3A_0 = arith.constant 0 : index
    %get3A_1 = arith.constant 0 : index
    %get3A_2 = vector.load %arg2[%get3A, %get3A_0, %get3A_1] : memref<2x1000x1xf32, #tpu.memory_space<vmem>>, vector<1x1000x1xf32>
    %get3A_3 = vector.shape_cast %get3A_2 : vector<1x1000x1xf32> to vector<1000x1xf32>
    %get3A_4 = arith.constant 1 : index
    %get3A_5 = arith.constant 0 : index
    %get3A_6 = arith.constant 0 : index
    %get3A_7 = vector.load %arg2[%get3A_4, %get3A_5, %get3A_6] : memref<2x1000x1xf32, #tpu.memory_space<vmem>>, vector<1x1000x1xf32>
    %get3A_8 = vector.shape_cast %get3A_7 : vector<1x1000x1xf32> to vector<1000x1xf32>
    %add3A = arith.addf %get3A_3, %get3A_8 : vector<1000x1xf32>
    %max3A = arith.constant 1.000000e+00 : f32
    %max3A_9 = vector.broadcast %max3A : f32 to vector<1000x1xf32>
    %max3A_10 = arith.maximumf %add3A, %max3A_9 : vector<1000x1xf32>
    %rsqrt3A = math.rsqrt %max3A_10 : vector<1000x1xf32>
    %get3A_11 = arith.constant 0 : index
    %get3A_12 = arith.constant 0 : index
    %get3A_13 = vector.load %arg1[%get3A_11, %get3A_12] : memref<1000x256xf32, #tpu.memory_space<vmem>>, vector<1000x128xf32>
    %mul3A = vector.broadcast %rsqrt3A : vector<1000x1xf32> to vector<1000x128xf32>
    %mul3A_14 = arith.mulf %get3A_13, %mul3A : vector<1000x128xf32>
    %swap3A = arith.constant 0 : index
    %swap3A_15 = arith.constant 0 : index
    %swap3A_16 = vector.load %arg3[%swap3A, %swap3A_15] : memref<1000x128xf32, #tpu.memory_space<vmem>>, vector<1000x128xf32>
    tpu.vector_store %arg3[%swap3A, %swap3A_15], %mul3A_14 {strides = array<i32>} : memref<1000x128xf32, #tpu.memory_space<vmem>>, vector<1000x128xf32>,
    %get3A_17 = arith.constant 0 : index
    %get3A_18 = arith.constant 128 : index
    %get3A_19 = vector.load %arg1[%get3A_17, %get3A_18] : memref<1000x256xf32, #tpu.memory_space<vmem>>, vector<1000x128xf32>
    %mul3A_20 = vector.broadcast %rsqrt3A : vector<1000x1xf32> to vector<1000x128xf32>
    %mul3A_21 = arith.mulf %get3A_19, %mul3A_20 : vector<1000x128xf32>
    %swap3A_22 = arith.constant 0 : index
    %swap3A_23 = arith.constant 0 : index
    %swap3A_24 = vector.load %arg4[%swap3A_22, %swap3A_23] : memref<1000x128xf32, #tpu.memory_space<vmem>>, vector<1000x128xf32>
    tpu.vector_store %arg4[%swap3A_22, %swap3A_23], %mul3A_21 {strides = array<i32>} : memref<1000x128xf32, #tpu.memory_space<vmem>>, vector<1000x128xf32>,
    %broadcast_in_dim3A = arith.constant 0.000000e+00 : f32
    %broadcast_in_dim3A_25 = vector.broadcast %broadcast_in_dim3A : f32 to vector<2x1024x128xf32>
    %swap3A_26 = arith.constant 0 : index
    %swap3A_27 = arith.constant 0 : index
    %swap3A_28 = arith.constant 0 : index
    %swap3A_29 = vector.load %arg5[%swap3A_26, %swap3A_27, %swap3A_28] : memref<2x1024x128xf32, #tpu.memory_space<vmem>>, vector<2x1024x128xf32>
    tpu.vector_store %arg5[%swap3A_26, %swap3A_27, %swap3A_28], %broadcast_in_dim3A_25 {strides = array<i32>} : memref<2x1024x128xf32, #tpu.memory_space<vmem>>, vector<2x1024x128xf32>,
    return
  }
  func.func @transform_0(%arg0: i32) -> (i32, i32) {
    %c0_i32 = arith.constant 0 : i32
    %c0_i32_0 = arith.constant 0 : i32
    return %arg0, %c0_i32 : i32, i32
  }
  func.func @transform_1(%arg0: i32) -> (i32, i32, i32) {
    %c0_i32 = arith.constant 0 : i32
    %c0_i32_0 = arith.constant 0 : i32
    %c0_i32_1 = arith.constant 0 : i32
    return %c0_i32, %arg0, %c0_i32_0 : i32, i32, i32
  }
  func.func @transform_2(%arg0: i32) -> (i32, i32) {
    %c0_i32 = arith.constant 0 : i32
    %c0_i32_0 = arith.constant 0 : i32
    return %arg0, %c0_i32 : i32, i32
  }
  func.func @transform_3(%arg0: i32) -> (i32, i32) {
    %c0_i32 = arith.constant 0 : i32
    %c0_i32_0 = arith.constant 0 : i32
    return %arg0, %c0_i32 : i32, i32
  }
  func.func @transform_4(%arg0: i32) -> (i32, i32, i32) {
    %c0_i32 = arith.constant 0 : i32
    %c0_i32_0 = arith.constant 0 : i32
    %c0_i32_1 = arith.constant 0 : i32
    return %c0_i32, %arg0, %c0_i32_0 : i32, i32, i32
  }
}

module attributes {stable_mosaic.version = 14 : i64} {
  func.func @_fin_body(%arg0: i32, %arg1: i32, %arg2: memref<1x1000x128xf32, #tpu.memory_space<vmem>>, %arg3: memref<1000x1xf32, #tpu.memory_space<vmem>>, %arg4: memref<1000x128xf32, #tpu.memory_space<vmem>>) attributes {dimension_semantics = [#tpu.dimension_semantics<arbitrary>, #tpu.dimension_semantics<arbitrary>], iteration_bounds = array<i64: 10, 2>, scalar_prefetch = 0 : i64, scratch_operands = 0 : i64, tpu.core_type = #tpu.core_type<tc>, window_params = [{transform_indices = @transform_0, window_bounds = array<i64: 1, 1000, 128>}, {transform_indices = @transform_1, window_bounds = array<i64: 1000, 1>}, {transform_indices = @transform_2, window_bounds = array<i64: 1000, 128>}]} {
    %get3A = arith.constant 0 : index
    %get3A_0 = arith.constant 0 : index
    %get3A_1 = vector.load %arg3[%get3A, %get3A_0] : memref<1000x1xf32, #tpu.memory_space<vmem>>, vector<1000x1xf32>
    %max3A = arith.constant 1.000000e+00 : f32
    %max3A_2 = vector.broadcast %max3A : f32 to vector<1000x1xf32>
    %max3A_3 = arith.maximumf %get3A_1, %max3A_2 : vector<1000x1xf32>
    %get3A_4 = arith.constant 0 : index
    %get3A_5 = arith.constant 0 : index
    %get3A_6 = arith.constant 0 : index
    %get3A_7 = vector.load %arg2[%get3A_4, %get3A_5, %get3A_6] : memref<1x1000x128xf32, #tpu.memory_space<vmem>>, vector<1x1000x128xf32>
    %get3A_8 = vector.shape_cast %get3A_7 : vector<1x1000x128xf32> to vector<1000x128xf32>
    %rsqrt3A = math.rsqrt %max3A_3 : vector<1000x1xf32>
    %mul3A = vector.broadcast %rsqrt3A : vector<1000x1xf32> to vector<1000x128xf32>
    %mul3A_9 = arith.mulf %get3A_8, %mul3A : vector<1000x128xf32>
    %swap3A = arith.constant 0 : index
    %swap3A_10 = arith.constant 0 : index
    %swap3A_11 = vector.load %arg4[%swap3A, %swap3A_10] : memref<1000x128xf32, #tpu.memory_space<vmem>>, vector<1000x128xf32>
    tpu.vector_store %arg4[%swap3A, %swap3A_10], %mul3A_9 {strides = array<i32>} : memref<1000x128xf32, #tpu.memory_space<vmem>>, vector<1000x128xf32>,
    return
  }
  func.func @transform_0(%arg0: i32, %arg1: i32) -> (i32, i32, i32) {
    %c0_i32 = arith.constant 0 : i32
    %c0_i32_0 = arith.constant 0 : i32
    return %arg1, %arg0, %c0_i32 : i32, i32, i32
  }
  func.func @transform_1(%arg0: i32, %arg1: i32) -> (i32, i32) {
    %c0_i32 = arith.constant 0 : i32
    %c0_i32_0 = arith.constant 0 : i32
    return %arg0, %c0_i32 : i32, i32
  }
  func.func @transform_2(%arg0: i32, %arg1: i32) -> (i32, i32) {
    %c0_i32 = arith.constant 0 : i32
    return %arg0, %arg1 : i32, i32
  }
}

</mosaic_0001>

<sc_bundles>
// kernel: kernel.6.cloned.1.call-start
scs
__scs_entry_jumppad:
0x0: {  	(pc) =	sbr.rel $0x88, $3  }
0x1: {  	(tag) =	ssettag $0x0;
	lr =	simm.s32 $0x1  }
0x2: {  	[smem:$0x3F9F] =	sst lr;
	_ =	strace $0xD0000000  }
0x3: {  	_ = 	snop  }
0x4: {  	_ = 	snop  }
0x5: {  	_ = 	snop  }
0x6: {  	_ = 	snop  }
0x7: {  	_ = 	snop  }
__scs_overlays_trampoline_lowered:
0x8: {  	[smem:$0x3FAE] =	sst s0  }
0x9: {  	[smem:$0x3FAF] =	sst s1  }
0xa: {  	[smem:$0x3FB0] =	sst s2  }
0xb: {  	[smem:$0x3FB1] =	sst s3  }
0xc: {  	[smem:$0x3FB2] =	sst s4  }
0xd: {  	[smem:$0x3FB3] =	sst s5  }
0xe: {  	[smem:$0x3FB4] =	sst s6  }
0xf: {  	[smem:$0x3FB5] =	sst s7  }
0x10: {  	[smem:$0x3FB6] =	sst s8  }
0x11: {  	[smem:$0x3FB7] =	sst s9;
	s0 =	simm.s32 @!p0 $0x0  }
0x12: {  	s1 =	sld [smem:$0x3F9D];
	s0 =	simm.s32 @p0 $0x1  }
0x13: {  	[smem:$0x3FB8] =	sst s0;
	s0 =	simm.s32 @!p1 $0x0  }
0x14: {  	s2 =	sld [smem:$0x3F9C];
	s0 =	simm.s32 @p1 $0x1  }
0x15: {  	[smem:$0x3FB9] =	sst s0;
	s0 =	simm.s32 @!p2 $0x0  }
0x16: {  	s3 =	sld [smem:$0x3FDB];
	s0 =	simm.s32 @p2 $0x1  }
0x17: {  	s4 =	simm.s32 $0x1BF5;
	[smem:$0x3FBB] =	sst s0  }
0x18: {  	s0 =	sld [smem:$0x3F9E];
	_ =	swait.ge [sflag:s4], $0x0  }
0x19: {  	s7 =	sld [smem:$0x3F9F]  }
0x1a: {  	s8 =	sadd.s32 $0xFFFFE003, lr  }
0x1b: {  	s9 =	sadd.s32 $0xFFFFFEF7, lr;
	s5 =	simm.s32 $0xFFFFFFFF;
	p2 =	slt.u32 s8, $0xFFFFF086  }
0x1c: {  	p1 =	slt.u32 s9, $0xF7A;
	s5 =	simm.s32 @!p2 $0x0  }
0x1d: {  	s5 =	simm.s32 @p1 $0x1;
	p0 =	seq.s32 s7, s2  }
0x1e: {  	s7 =	smul.u32 @!p0 $0xF7A, s2;
	p2 =	seq.s32 @!p0 s5, $0x0  }
0x1f: {  	s9 =	smul.u32 $0xF7A, s1;
	s8 =	simm.s32 @!p0 $0x1BF5;
	p2 =	por !p2, p0  }
0x20: {  	[sflag:s8] =	ssyncset.s32 @!p0 $0xFFFFF086;
	s6 =	sadd.s32 @!p0 s3, s7;
	s7 =	simm.s32 @!p0 $0x108  }
0x21: {  	s3 =	sadd.s32 s3, s9;
	s6 =	sadd.s32 @!p0 $0x88, s6;
	s7 =	simm.s32 @p2 $0x1082  }
0x22: {  	[simem:s7], [sflag:s8] =	dma.local @!p0 [hbm:s6], $0xF7A  }
0x23: {  	s9 =	sor.u32 $0xD0000000, s2;
	s6 =	simm.s32 $0x108;
	_ =	swait.ge @!p0 [sflag:s8], $0x0  }
0x24: {  	s3 =	sadd.s32 $0x88, s3;
	s6 =	simm.s32 @!p1 $0x1082;
	[sflag:s4] =	ssyncset.s32 $0xFFFFF086  }
0x25: {  	[simem:s6], [sflag:s4] =	dma.local [hbm:s3], $0xF7A  }
0x26: {  	[smem:$0x3F9F] =	sst s1;
	(tag) =	ssettag s2;
	_ =	strace s9  }
0x27: {  	s1 =	sld [smem:$0x3FAF]  }
0x28: {  	s2 =	sld [smem:$0x3FB0]  }
0x29: {  	s4 =	sld [smem:$0x3FB2]  }
0x2a: {  	p0 =	seq.s32 s5, $0x0;
	s5 =	sld [smem:$0x3FB3]  }
0x2b: {  	s6 =	sld [smem:$0x3FB4]  }
0x2c: {  	s7 =	sld [smem:$0x3FB5]  }
0x2d: {  	s3 =	simm.s32 $0x108;
	s8 =	sld [smem:$0x3FB6]  }
0x2e: {  	s3 =	simm.s32 @!p0 $0x1082;
	s9 =	sld [smem:$0x3FB7]  }
0x2f: {  	lr =	sadd.s32 s0, s3;
	s0 =	sld [smem:$0x3FAE]  }
0x30: {  	s3 =	sld [smem:$0x3FB1]  }
0x31: {  	[smem:$0x3FBA] =	sst s10  }
0x32: {  	s10 =	sld [smem:$0x3FB8];
	_ =	sdelay $0x3  }
0x33: {  	p0 =	seq.s32 s10, $0x1;
	s10 =	sld [smem:$0x3FBA];
	_ =	sdelay $0x3  }
0x34: {  	[smem:$0x3FBA] =	sst s10  }
0x35: {  	s10 =	sld [smem:$0x3FB9];
	_ =	sdelay $0x3  }
0x36: {  	p1 =	seq.s32 s10, $0x1;
	s10 =	sld [smem:$0x3FBA];
	_ =	sdelay $0x3  }
0x37: {  	[smem:$0x3FBA] =	sst s10  }
0x38: {  	s10 =	sld [smem:$0x3FBB]  }
0x39: {  	_ = 	snop;
	(pc) =	sbr.ind lr, $3  }
0x3a: {  	_ = 	snop  }
0x3b: {  	_ = 	snop  }
0x3c: {  	p2 =	seq.s32 s10, $0x1;
	s10 =	sld [smem:$0x3FBA]  }
0x3d: {  	_ =	shalt  }
0x3e: {  	_ =	shalt  }
0x3f: {  	_ =	shalt  }
0x40: {  	_ =	shalt  }
0x41: {  	_ =	shalt  }
0x42: {  	_ =	shalt  }
0x43: {  	_ =	shalt  }
0x44: {  	_ =	shalt  }
0x45: {  	_ =	shalt  }
0x46: {  	_ =	shalt  }
0x47: {  	_ =	shalt  }
0x48: {  	_ =	shalt  }
0x49: {  	_ =	shalt  }
0x4a: {  	_ =	shalt  }
0x4b: {  	_ =	shalt  }
0x4c: {  	_ =	shalt  }
0x4d: {  	_ =	shalt  }
0x4e: {  	_ =	shalt  }
0x4f: {  	_ =	shalt  }
0x50: {  	_ =	shalt  }
0x51: {  	_ =	shalt  }
0x52: {  	_ =	shalt  }
0x53: {  	_ =	shalt  }
0x54: {  	_ =	shalt  }
0x55: {  	_ =	shalt  }
0x56: {  	_ =	shalt  }
0x57: {  	_ =	shalt  }
0x58: {  	_ =	shalt  }
0x59: {  	_ =	shalt  }
0x5a: {  	_ =	shalt  }
0x5b: {  	_ =	shalt  }
0x5c: {  	_ =	shalt  }
0x5d: {  	_ =	shalt  }
0x5e: {  	_ =	shalt  }
0x5f: {  	_ =	shalt  }
0x60: {  	_ =	shalt  }
0x61: {  	_ =	shalt  }
0x62: {  	_ =	shalt  }
0x63: {  	_ =	shalt  }
0x64: {  	_ =	shalt  }
0x65: {  	_ =	shalt  }
0x66: {  	_ =	shalt  }
0x67: {  	_ =	shalt  }
0x68: {  	_ =	shalt  }
0x69: {  	_ =	shalt  }
0x6a: {  	_ =	shalt  }
0x6b: {  	_ =	shalt  }
0x6c: {  	_ =	shalt  }
0x6d: {  	_ =	shalt  }
0x6e: {  	_ =	shalt  }
0x6f: {  	_ =	shalt  }
0x70: {  	_ =	shalt  }
0x71: {  	_ =	shalt  }
0x72: {  	_ =	shalt  }
0x73: {  	_ =	shalt  }
0x74: {  	_ =	shalt  }
0x75: {  	_ =	shalt  }
0x76: {  	_ =	shalt  }
0x77: {  	_ =	shalt  }
0x78: {  	_ =	shalt  }
0x79: {  	_ =	shalt  }
0x7a: {  	_ =	shalt  }
0x7b: {  	_ =	shalt  }
0x7c: {  	_ =	shalt  }
0x7d: {  	_ =	shalt  }
0x7e: {  	_ =	shalt  }
0x7f: {  	_ =	shalt  }
0x80: {  	_ =	shalt  }
0x81: {  	_ =	shalt  }
0x82: {  	_ =	shalt  }
0x83: {  	_ =	shalt  }
0x84: {  	_ =	shalt  }
0x85: {  	_ =	shalt  }
0x86: {  	_ =	shalt  }
0x87: {  	_ =	shalt  }
.Lfunc_end0:
.L_simem_size_0:
called_computation_lowered:
.L_overlay_start_0:
0x88: {  	s2 =	sld [smem:$0x3FD9]  }
0x89: {  	s3 =	sld [smem:$0x3FFE];
	_ =	sdelay $0x1  }
0x8a: {  	s1 =	srdreg.scid  }
0x8b: {  	s0 =	sand.u32 $0x1, s1  }
0x8c: {  	s17 =	sshll.u32 s0, $0xA;
	s2 =	sadd.s32 s3, s2  }
0x8d: {  	s2 =	sadd.s32 s2, s17  }
0x8e: {  	[smem:$0x3FC6] =	sst s2  }
0x8f: {  	_ = 	snop  }
0x90: {  	s2 =	sld [smem:$0x3FD0];
	(tm) =	ssettm $0x1  }
0x91: {  	s18 =	sld [smem:$0x3FFB];
	_ =	sdelay $0x3  }
0x92: {  	_ =	strace s18  }
0x93: {  	s3 =	sld [smem:$0x3FFC];
	_ =	sdelay $0x3  }
0x94: {  	_ =	strace s3  }
0x95: {  	s3 =	sld [smem:$0x3FFD];
	_ =	sdelay $0x3  }
0x96: {  	_ =	strace s3  }
0x97: {  	_ =	strace $0x8FFFFFFF  }
0x98: {  	s19 =	sld [smem:$0x3FDB];
	_ =	sdelay $0x1  }
0x99: {  	s4 =	simm.s32 $_scs_section_size  }
0x9a: {  	s5 =	simm.s32 $_size__tile_overlayer_lowered;
	s6 =	simm.s32 $_tile_overlayer_lowered  }
0x9b: {  	s22 =	simm.s32 $0x1BFF;
	s21 =	sshll.u32 s6, $0x1;
	s3 =	sadd.s32 s4, s19  }
0x9c: {  	s7 =	simm.s32 $0x0;
	s20 =	sshll.u32 s5, $0x1;
	s5 =	sadd.s32 s21, s3  }
0x9d: {  	[timem:s7], [sflag:s22] =	dma.local [hbm:s5], s20  }
0x9e: {  	_ =	swait.ge [sflag:s22], s20  }
0x9f: {  	s4 =	ssub.s32 $0x0, s20;
	[sflag:s22] =	ssyncset.done $0x0  }
0xa0: {  	[sflag:s22] =	ssyncadd.s32 s4;
	_ =	sdelay $0x1  }
0xa1: {  	s23 =	simm.s32 $0x1B8B  }
0xa2: {  	_ =	swait.ge [sflag:s23], $0x1  }
0xa3: {  	[sflag:s23] =	ssyncset.done $0x0  }
0xa4: {  	s25 =	simm.s32 $0x1B8E;
	s24 =	sld [smem:$0x3FFE];
	[sflag:s23] =	ssyncadd.s32 $0xFFFFFFFF  }
0xa5: {  	s26 =	simm.s32 $execute0_lowered;
	[smem:$0x3FD2] =	sst s25  }
0xa6: {  	s5 =	sshll.u32 s26, $0x1;
	_ =	strace $0x80000046;
	[dreg:$0x1] =	wrdreg $0xFFFFFFFF  }
0xa7: {  	s28 =	simm.s32 $_size_execute0_lowered;
	s3 =	sadd.s32 s3, s5;
	[dreg:$0x0] =	wrdreg $0x0  }
0xa8: {  	s5 =	sshll.u32 s28, $0x1;
	[dreg:$0x2] =	wrdreg s3  }
0xa9: {  	[dreg:$0x3] =	wrdreg s5  }
0xaa: {  	[dreg:$0x4] =	wrdreg $0xC0  }
0xab: {  	_ =	task [dreg:s7], $0x5FFFF  }
0xac: {  	[dreg:$0x1] =	wrdreg $0xFFFFFFFF  }
0xad: {  	[dreg:$0x0] =	wrdreg $0x60  }
0xae: {  	[dreg:$0x2] =	wrdreg s24  }
0xaf: {  	[dreg:$0x3] =	wrdreg s2  }
0xb0: {  	[dreg:$0x4] =	wrdreg $0x2800  }
0xb1: {  	[dreg:$0x5] =	wrdreg $0x9  }
0xb2: {  	_ =	task.clear_ibuf [dreg:s7], $0x6FFFF;
	_ =	strace $0x90000046  }
0xb3: {  	s29 =	simm.s32 $0x9;
	_ =	strace $0x80000048  }
0xb4: {  	_ =	swait.ge [sflag:s29], $0x1  }
0xb5: {  	[sflag:s29] =	ssyncadd.s32 $0xFFFFFFFF  }
0xb6: {  	_ =	strace $0x90000048  }
0xb7: {  	_ =	sfence  }
0xb8: {  	s30 =	sld [smem:$0x0];
	_ =	sdelay $0x2  }
0xb9: {  	s31 =	sshll.u32 s1, $0xD;
	s1 =	sshrl.u32 s1, $0x2  }
0xba: {  	s3 =	sand.u32 $0x4000, s31;
	s1 =	sadd.s32 s1, s30  }
0xbb: {  	s0 =	sor.u32 s3, s0;
	s1 =	sshll.u32 s1, $0x11  }
0xbc: {  	s0 =	sor.u32 s1, s0  }
0xbd: {  	s0 =	sadd.s32 $0x8F2B, s0  }
0xbe: {  	[sflag:s0] =	ssyncadd.remote.s32 $0x1  }
0xbf: {  	_ =	sfence.sel $0xFFFF  }
0xc0: {  	[dreg:$0x0] =	wrdreg $0xFFFFFFFF;
	(pc) =	sbr.abs _section_cstart, $3  }
0xc1: {  	[dreg:$0x1] =	wrdreg $0xFFFFFFFF  }
0xc2: {  	_ =	task.clear_ibuf [dreg:s7], $0x2FFFF;
	_ =	strace $0x9FFFFFFF  }
0xc3: {  	(tm) =	ssettm $0x7FFFFFFF  }
tec
execute0_lowered:
.L_overlay_start_1:
0x0: {  	(tag) =	ssettag $0x1  }
0x1: {  	s3 =	rddreg [dreg:$0x0]  }
0x2: {  	s6 =	rddreg [dreg:$0x1]  }
0x3: {  	s1 =	rddreg [dreg:$0x2];
	s4 =	srdreg.scid;
	s2 =	simm.s32 $0x0  }
0x4: {  	s10 =	stileid.u32;
	s14 =	simm.s32 $0x1;
	s15 =	simm.s32 $0x28  }
0x5: {  	s16 =	simm.s32 $0x200;
	s17 =	simm.s32 $0x180;
	s18 =	simm.s32 $0x2  }
0x6: {  	s19 =	simm.s32 $0x8;
	s20 =	simm.s32 $0x5;
	s21 =	simm.s32 $0x0  }
0x7: {  	s4 =	sand.u32 $0x1, s4;
	[smem:$0x7FF] =	sst s2;
	s12 =	sadd.s32 $0x5800, s3  }
0x8: {  	s30 =	smul.u32 $0x1388, s10;
	p0 =	sne.s32 s10, $0x0;
	s5 =	sshll.u32 s4, $0x4  }
0x9: {  	s7 =	smul.u32 $0x500, s4;
	s8 =	ssub.s32 $0x2, s4;
	_ =	strace $0x80000047  }
0xa: {  	s13 =	smul.u32 $0x13880, s4;
	s5 =	sor.u32 s10, s5;
	s9 =	sshrl.u32 s8, $0x1  }
0xb: {  	s11 =	smul.u32 $0x1388, s5;
	s25 =	sadd.s32 s7, s3;
	s8 =	ssub.s32 s8, s9  }
0xc: {  	s6 =	sadd.s32 s6, s7;
	s9 =	sadd.s32 s30, s13;
	s5 =	sadd.s32 $0xA800, s25  }
0xd: {  	s7 =	smax.u32 s8, $0x1;
	s13 =	sadd.s32 $0xA0, s9;
	s26 =	sshrl.u32 s11, $0x3  }
0xe: {  	s28 =	sadd.s32 $0x28, s11;
	s11 =	sadd.s32 $0x78, s11;
	s31 =	sshrl.u32 s13, $0x3  }
0xf: {  	s3 =	sadd.s32 s12, s26;
	s29 =	sshrl.u32 s28, $0x3;
	s11 =	sshrl.u32 s11, $0x3  }
0x10: {  	s10 =	sadd.s32 s31, s12;
	s4 =	sadd.s32 s12, s29;
	s8 =	sadd.s32 $0xA, s3  }
0x11: {  	v0 =	vimm.f32 $1.000000000e+00;
	s9 =	sadd.s32 s12, s11;
	s11 =	simm.s32 $0x80;
	s12 =	sshrl.u32 @!p0 s1, $0x3  }
.LBB2_1:
0x12: {  	[tilespmem:$0x200] =	vst v0  }
0x13: {  	[tilespmem:$0x210] =	vst v0  }
0x14: {  	[tilespmem:$0x220] =	vst v0  }
0x15: {  	[tilespmem:s2], [sflag:$0x1] =	stream.linear.gather [hbm4b:s3+s2], $0x28, $0x38;
	[tilespmem:$0x500] =	vst v63  }
0x16: {  	s22 =	simm.s32 @!p0 $0x1C09  }
0x17: {  	[tilespmem:s11], [sflag:$0x2] =	stream.linear.gather [hbm4b:s4+s2], $0x28, $0x38;
	[tilespmem:$0x500] =	vst v63  }
0x18: {  	[spmem:s12], [sflag:s22] =	dma.local @!p0 [hbm:s5], $0x500  }
0x19: {  	s22 =	simm.s32 @!p0 $0x9  }
0x1a: {  	_ =	swait.ge @!p0 [sflag:s22], $0x500  }
0x1b: {  	[sflag:s22] =	ssyncset.done @!p0 $0x0  }
0x1c: {  	[sflag:s22] =	ssyncadd.s32 @!p0 $0xFFFFFB00  }
0x1d: {  	s0 =	simm.s32 $0x100;
	[bflag:$0x0] =	sbarrier.arrive $0xFFFF  }
0x1e: {  	[tilespmem:s0], [sflag:$0x3] =	stream.linear.gather [hbm4b:s8+s2], $0x28, $0x38;
	[tilespmem:$0x500] =	vst v63  }
0x1f: {  	_ =	swait.ge [sflag:s14], $0x28  }
0x20: {  	[sflag:s14] =	ssyncset.done $0x0  }
0x21: {  	[sflag:s14] =	ssyncadd.s32 $0xFFFFFFD8  }
0x22: {  	[spmem:s1] =	stream.indirect.scatter.add.f32 [tilespmem:s16], [sflag:$0x5], $0x1, s2, s15, $0xb8;
	[tilespmem:$0x500] =	vst v63  }
0x23: {  	s31 =	simm.s32 $0x2;
	s24 =	simm.s32 $0x4  }
0x24: {  	[tilespmem:s17], [sflag:$0x4] =	stream.linear.gather [hbm4b:s9+s2], $0x28, $0x38;
	[tilespmem:$0x500] =	vst v63  }
0x25: {  	s23 =	simm.s32 $0x5;
	s30 =	sand.u32 $0x3, s31;
	_ =	swait.ge [sflag:s18], $0x28  }
0x26: {  	s25 =	simm.s32 $0x6;
	s22 =	sxor.u32 $0x2, s30;
	[sflag:s18] =	ssyncset.done $0x0  }
0x27: {  	p1 =	por $0x0, $0x0;
	s26 =	sadd.s32 $0x5, s22;
	[sflag:s18] =	ssyncadd.s32 $0xFFFFFFD8  }
0x28: {  	[spmem:s1] =	stream.indirect.scatter.add.f32 [tilespmem:s16], [sflag:$0x6], $0x1, s11, s15, $0xb8;
	[tilespmem:$0x500] =	vst v63  }
0x29: {  	s24 =	sand.u32 @!p1 $0x3, s24;
	s29 =	simm.s32 @!p1 $0x0;
	_ =	swait.ge [sflag:s26], $0x28  }
0x2a: {  	s28 =	sadd.s32 $0x1, s30;
	s22 =	simm.s32 $0x3;
	[sflag:s26] =	ssyncset.done $0x0  }
0x2b: {  	[sflag:s26] =	ssyncadd.s32 $0xFFFFFFD8;
	s26 =	sshll.u32 @!p1 s24, $0x7;
	s24 =	sadd.s32 @!p1 $0x1, s24  }
0x2c: {  	[tilespmem:s26], [sflag:s24] =	stream.linear.gather @!p1 [hbm4b:s10+s29], $0x28, $0x38;
	[tilespmem:$0x500] =	vst v63  }
0x2d: {  	s26 =	sand.u32 $0x3, s22;
	s24 =	sadd.s32 $0x5, s10;
	_ =	swait.ge [sflag:s28], $0x28  }
0x2e: {  	s29 =	sshll.u32 s30, $0x7;
	s30 =	sadd.s32 $0x5, s30;
	[sflag:s28] =	ssyncset.done $0x0  }
.LBB2_2:
0x2f: {  	s31 =	sadd.s32 $0xFFFFFFFE, s25;
	[sflag:s28] =	ssyncadd.s32 $0xFFFFFFD8  }
0x30: {  	s0 =	smov.u32 s25;
	s25 =	sadd.s32 $0x1, s25;
	s13 =	smov.u32 s26  }
0x31: {  	[spmem:s1] =	stream.indirect.scatter.add.f32 [tilespmem:s16], [sflag:s30], $0x1, s29, s15, $0xb8;
	[tilespmem:$0x500] =	vst v63  }
0x32: {  	p1 =	sne.s32 s25, $0x7F;
	s26 =	sxor.u32 $0x2, s13  }
0x33: {  	p2 =	sgt.u32 s22, $0x7A;
	s26 =	sadd.s32 $0x5, s26  }
0x34: {  	s22 =	smov.u32 s31;
	s23 =	sand.u32 @!p2 $0x3, s23;
	_ =	swait.ge [sflag:s26], $0x28  }
0x35: {  	s29 =	simm.s32 @!p2 $0x0;
	s28 =	sadd.s32 $0x1, s13;
	[sflag:s26] =	ssyncset.done $0x0  }
.Ltmp0:
0x36: {  	[sflag:s26] =	ssyncadd.s32 $0xFFFFFFD8;
	s26 =	sshll.u32 @!p2 s23, $0x7;
	(pc) =	sbr.rel @p1 .LBB2_2-.Ltmp0, $4  }
0x37: {  	s30 =	sadd.s32 @!p2 $0x1, s23;
	s23 =	smov.u32 s0  }
0x38: {  	[tilespmem:s26], [sflag:s30] =	stream.linear.gather @!p2 [hbm4b:s24+s29], $0x28, $0x38;
	[tilespmem:$0x500] =	vst v63  }
0x39: {  	s26 =	sand.u32 $0x3, s22;
	s24 =	sadd.s32 $0x5, s24;
	_ =	swait.ge [sflag:s28], $0x28  }
0x3a: {  	s29 =	sshll.u32 s13, $0x7;
	s30 =	sadd.s32 $0x5, s13;
	[sflag:s28] =	ssyncset.done $0x0  }
0x3b: {  	[sflag:s28] =	ssyncadd.s32 $0xFFFFFFD8;
	s0 =	sxor.u32 $0x2, s26  }
0x3c: {  	[spmem:s1] =	stream.indirect.scatter.add.f32 [tilespmem:s16], [sflag:s30], $0x1, s29, s15, $0xb8;
	[tilespmem:$0x500] =	vst v63  }
0x3d: {  	p1 =	sgt.u32 s22, $0x7A;
	s0 =	sadd.s32 $0x5, s0  }
0x3e: {  	s13 =	sand.u32 @!p1 $0x3, s23;
	_ =	swait.ge [sflag:s0], $0x28  }
0x3f: {  	s22 =	simm.s32 @!p1 $0x0;
	s29 =	sadd.s32 $0x1, s26;
	[sflag:s0] =	ssyncset.done $0x0  }
0x40: {  	[sflag:s0] =	ssyncadd.s32 $0xFFFFFFD8;
	s0 =	sshll.u32 @!p1 s13, $0x7;
	s13 =	sadd.s32 @!p1 $0x1, s13  }
0x41: {  	[tilespmem:s0], [sflag:s13] =	stream.linear.gather @!p1 [hbm4b:s24+s22], $0x28, $0x38;
	[tilespmem:$0x500] =	vst v63  }
0x42: {  	_ =	swait.ge [sflag:s29], $0x28  }
0x43: {  	[sflag:s29] =	ssyncset.done $0x0  }
0x44: {  	s31 =	sadd.s32 $0x5, s26;
	s30 =	sshll.u32 s26, $0x7;
	[sflag:s29] =	ssyncadd.s32 $0xFFFFFFD8  }
0x45: {  	[spmem:s1] =	stream.indirect.scatter.add.f32 [tilespmem:s16], [sflag:s31], $0x1, s30, s15, $0xb8;
	[tilespmem:$0x500] =	vst v63  }
0x46: {  	_ =	swait.ge [sflag:s19], $0x28  }
0x47: {  	[sflag:s19] =	ssyncset.done $0x0  }
0x48: {  	[sflag:s19] =	ssyncadd.s32 $0xFFFFFFD8  }
0x49: {  	_ =	swait.ge [sflag:s20], $0x28  }
0x4a: {  	[sflag:s20] =	ssyncset.done $0x0  }
0x4b: {  	s21 =	sadd.s32 $0x1, s21;
	[sflag:s20] =	ssyncadd.s32 $0xFFFFFFD8  }
0x4c: {  	s0 =	simm.s32 @!p0 $0x1C09;
	p1 =	sne.s32 s21, s7;
	[bflag:$0x0] =	sbarrier.arrive $0xFFFF  }
0x4d: {  	[hbm:s6], [sflag:s0] =	dma.local @!p0 [spmem:s12], $0x500  }
.Ltmp1:
0x4e: {  	_ = 	snop;
	(pc) =	sbr.rel @p1 .LBB2_1-.Ltmp1, $4  }
0x4f: {  	s0 =	simm.s32 @!p0 $0x9  }
0x50: {  	_ =	swait.ge @!p0 [sflag:s0], $0x500  }
0x51: {  	[sflag:s0] =	ssyncset.done @!p0 $0x0  }
0x52: {  	[sflag:s0] =	ssyncadd.s32 @!p0 $0xFFFFFB00  }
0x53: {  	_ =	sfence.sel $0x180000  }
0x54: {  	[bflag:$0x0] =	sbarrier.arrive $0xFFFF  }
0x55: {  	_ =	strace $0x90000047  }
0x56: {  	[bflag:$0x2] =	sbarrier.arrive $0xFFFF  }
0x57: {  	s0 =	rddreg [dreg:$0x3]  }
0x58: {  	s0 =	sadd.s32 @!p0 $0x100000, s0  }
0x59: {  	[sflag:s0] =	ssyncadd.tile.s32 @!p0 $0x1;
	_ =	shalt  }
.Lfunc_end2:
_tile_overlayer_lowered:
.L_overlay_start_2:
0x5a: {  	(tag) =	ssettag $0x2  }
0x5b: {  	s0 =	rddreg [dreg:$0x0];
	s2 =	stileid.u32  }
0x5c: {  	s1 =	rddreg [dreg:$0x1];
	p0 =	sne.s32 s2, $0x0  }
0x5d: {  	s3 =	rddreg [dreg:$0x2];
	[bflag:$0x3] =	sbarrier.arrive $0xFFFF;
	s2 =	simm.s32 @!p0 $0x1C09  }
0x5e: {  	[timem:s3], [sflag:s2] =	dma.local @!p0 [hbm:s0], s1  }
0x5f: {  	s0 =	simm.s32 @!p0 $0x9  }
0x60: {  	_ =	swait.ge @!p0 [sflag:s0], s1  }
0x61: {  	s1 =	ssub.s32 @!p0 $0x0, s1;
	[sflag:s0] =	ssyncset.done @!p0 $0x0  }
0x62: {  	[sflag:s0] =	ssyncadd.s32 @!p0 s1  }
0x63: {  	[bflag:$0x3] =	sbarrier.arrive $0xFFFF  }
0x64: {  	_ =	shalt  }

// kernel: kernel.9.cloned.1.call-start
scs
__scs_entry_jumppad:
0x0: {  	(pc) =	sbr.rel $0x88, $3  }
0x1: {  	(tag) =	ssettag $0x0;
	lr =	simm.s32 $0x1  }
0x2: {  	[smem:$0x3F9F] =	sst lr;
	_ =	strace $0xD0000000  }
0x3: {  	_ = 	snop  }
0x4: {  	_ = 	snop  }
0x5: {  	_ = 	snop  }
0x6: {  	_ = 	snop  }
0x7: {  	_ = 	snop  }
__scs_overlays_trampoline_lowered:
0x8: {  	[smem:$0x3FAE] =	sst s0  }
0x9: {  	[smem:$0x3FAF] =	sst s1  }
0xa: {  	[smem:$0x3FB0] =	sst s2  }
0xb: {  	[smem:$0x3FB1] =	sst s3  }
0xc: {  	[smem:$0x3FB2] =	sst s4  }
0xd: {  	[smem:$0x3FB3] =	sst s5  }
0xe: {  	[smem:$0x3FB4] =	sst s6  }
0xf: {  	[smem:$0x3FB5] =	sst s7  }
0x10: {  	[smem:$0x3FB6] =	sst s8  }
0x11: {  	[smem:$0x3FB7] =	sst s9;
	s0 =	simm.s32 @!p0 $0x0  }
0x12: {  	s1 =	sld [smem:$0x3F9D];
	s0 =	simm.s32 @p0 $0x1  }
0x13: {  	[smem:$0x3FB8] =	sst s0;
	s0 =	simm.s32 @!p1 $0x0  }
0x14: {  	s2 =	sld [smem:$0x3F9C];
	s0 =	simm.s32 @p1 $0x1  }
0x15: {  	[smem:$0x3FB9] =	sst s0;
	s0 =	simm.s32 @!p2 $0x0  }
0x16: {  	s3 =	sld [smem:$0x3FDB];
	s0 =	simm.s32 @p2 $0x1  }
0x17: {  	s4 =	simm.s32 $0x1BF5;
	[smem:$0x3FBB] =	sst s0  }
0x18: {  	s0 =	sld [smem:$0x3F9E];
	_ =	swait.ge [sflag:s4], $0x0  }
0x19: {  	s7 =	sld [smem:$0x3F9F]  }
0x1a: {  	s8 =	sadd.s32 $0xFFFFE003, lr  }
0x1b: {  	s9 =	sadd.s32 $0xFFFFFEF7, lr;
	s5 =	simm.s32 $0xFFFFFFFF;
	p2 =	slt.u32 s8, $0xFFFFF086  }
0x1c: {  	p1 =	slt.u32 s9, $0xF7A;
	s5 =	simm.s32 @!p2 $0x0  }
0x1d: {  	s5 =	simm.s32 @p1 $0x1;
	p0 =	seq.s32 s7, s2  }
0x1e: {  	s7 =	smul.u32 @!p0 $0xF7A, s2;
	p2 =	seq.s32 @!p0 s5, $0x0  }
0x1f: {  	s9 =	smul.u32 $0xF7A, s1;
	s8 =	simm.s32 @!p0 $0x1BF5;
	p2 =	por !p2, p0  }
0x20: {  	[sflag:s8] =	ssyncset.s32 @!p0 $0xFFFFF086;
	s6 =	sadd.s32 @!p0 s3, s7;
	s7 =	simm.s32 @!p0 $0x108  }
0x21: {  	s3 =	sadd.s32 s3, s9;
	s6 =	sadd.s32 @!p0 $0x88, s6;
	s7 =	simm.s32 @p2 $0x1082  }
0x22: {  	[simem:s7], [sflag:s8] =	dma.local @!p0 [hbm:s6], $0xF7A  }
0x23: {  	s9 =	sor.u32 $0xD0000000, s2;
	s6 =	simm.s32 $0x108;
	_ =	swait.ge @!p0 [sflag:s8], $0x0  }
0x24: {  	s3 =	sadd.s32 $0x88, s3;
	s6 =	simm.s32 @!p1 $0x1082;
	[sflag:s4] =	ssyncset.s32 $0xFFFFF086  }
0x25: {  	[simem:s6], [sflag:s4] =	dma.local [hbm:s3], $0xF7A  }
0x26: {  	[smem:$0x3F9F] =	sst s1;
	(tag) =	ssettag s2;
	_ =	strace s9  }
0x27: {  	s1 =	sld [smem:$0x3FAF]  }
0x28: {  	s2 =	sld [smem:$0x3FB0]  }
0x29: {  	s4 =	sld [smem:$0x3FB2]  }
0x2a: {  	p0 =	seq.s32 s5, $0x0;
	s5 =	sld [smem:$0x3FB3]  }
0x2b: {  	s6 =	sld [smem:$0x3FB4]  }
0x2c: {  	s7 =	sld [smem:$0x3FB5]  }
0x2d: {  	s3 =	simm.s32 $0x108;
	s8 =	sld [smem:$0x3FB6]  }
0x2e: {  	s3 =	simm.s32 @!p0 $0x1082;
	s9 =	sld [smem:$0x3FB7]  }
0x2f: {  	lr =	sadd.s32 s0, s3;
	s0 =	sld [smem:$0x3FAE]  }
0x30: {  	s3 =	sld [smem:$0x3FB1]  }
0x31: {  	[smem:$0x3FBA] =	sst s10  }
0x32: {  	s10 =	sld [smem:$0x3FB8];
	_ =	sdelay $0x3  }
0x33: {  	p0 =	seq.s32 s10, $0x1;
	s10 =	sld [smem:$0x3FBA];
	_ =	sdelay $0x3  }
0x34: {  	[smem:$0x3FBA] =	sst s10  }
0x35: {  	s10 =	sld [smem:$0x3FB9];
	_ =	sdelay $0x3  }
0x36: {  	p1 =	seq.s32 s10, $0x1;
	s10 =	sld [smem:$0x3FBA];
	_ =	sdelay $0x3  }
0x37: {  	[smem:$0x3FBA] =	sst s10  }
0x38: {  	s10 =	sld [smem:$0x3FBB]  }
0x39: {  	_ = 	snop;
	(pc) =	sbr.ind lr, $3  }
0x3a: {  	_ = 	snop  }
0x3b: {  	_ = 	snop  }
0x3c: {  	p2 =	seq.s32 s10, $0x1;
	s10 =	sld [smem:$0x3FBA]  }
0x3d: {  	_ =	shalt  }
0x3e: {  	_ =	shalt  }
0x3f: {  	_ =	shalt  }
0x40: {  	_ =	shalt  }
0x41: {  	_ =	shalt  }
0x42: {  	_ =	shalt  }
0x43: {  	_ =	shalt  }
0x44: {  	_ =	shalt  }
0x45: {  	_ =	shalt  }
0x46: {  	_ =	shalt  }
0x47: {  	_ =	shalt  }
0x48: {  	_ =	shalt  }
0x49: {  	_ =	shalt  }
0x4a: {  	_ =	shalt  }
0x4b: {  	_ =	shalt  }
0x4c: {  	_ =	shalt  }
0x4d: {  	_ =	shalt  }
0x4e: {  	_ =	shalt  }
0x4f: {  	_ =	shalt  }
0x50: {  	_ =	shalt  }
0x51: {  	_ =	shalt  }
0x52: {  	_ =	shalt  }
0x53: {  	_ =	shalt  }
0x54: {  	_ =	shalt  }
0x55: {  	_ =	shalt  }
0x56: {  	_ =	shalt  }
0x57: {  	_ =	shalt  }
0x58: {  	_ =	shalt  }
0x59: {  	_ =	shalt  }
0x5a: {  	_ =	shalt  }
0x5b: {  	_ =	shalt  }
0x5c: {  	_ =	shalt  }
0x5d: {  	_ =	shalt  }
0x5e: {  	_ =	shalt  }
0x5f: {  	_ =	shalt  }
0x60: {  	_ =	shalt  }
0x61: {  	_ =	shalt  }
0x62: {  	_ =	shalt  }
0x63: {  	_ =	shalt  }
0x64: {  	_ =	shalt  }
0x65: {  	_ =	shalt  }
0x66: {  	_ =	shalt  }
0x67: {  	_ =	shalt  }
0x68: {  	_ =	shalt  }
0x69: {  	_ =	shalt  }
0x6a: {  	_ =	shalt  }
0x6b: {  	_ =	shalt  }
0x6c: {  	_ =	shalt  }
0x6d: {  	_ =	shalt  }
0x6e: {  	_ =	shalt  }
0x6f: {  	_ =	shalt  }
0x70: {  	_ =	shalt  }
0x71: {  	_ =	shalt  }
0x72: {  	_ =	shalt  }
0x73: {  	_ =	shalt  }
0x74: {  	_ =	shalt  }
0x75: {  	_ =	shalt  }
0x76: {  	_ =	shalt  }
0x77: {  	_ =	shalt  }
0x78: {  	_ =	shalt  }
0x79: {  	_ =	shalt  }
0x7a: {  	_ =	shalt  }
0x7b: {  	_ =	shalt  }
0x7c: {  	_ =	shalt  }
0x7d: {  	_ =	shalt  }
0x7e: {  	_ =	shalt  }
0x7f: {  	_ =	shalt  }
0x80: {  	_ =	shalt  }
0x81: {  	_ =	shalt  }
0x82: {  	_ =	shalt  }
0x83: {  	_ =	shalt  }
0x84: {  	_ =	shalt  }
0x85: {  	_ =	shalt  }
0x86: {  	_ =	shalt  }
0x87: {  	_ =	shalt  }
.Lfunc_end0:
.L_simem_size_0:
called_computation.1_lowered:
.L_overlay_start_0:
0x88: {  	s2 =	sld [smem:$0x3FD9]  }
0x89: {  	s3 =	sld [smem:$0x3FFE];
	_ =	sdelay $0x1  }
0x8a: {  	s1 =	srdreg.scid  }
0x8b: {  	s0 =	sand.u32 $0x1, s1  }
0x8c: {  	s17 =	sshll.u32 s0, $0xA;
	s2 =	sadd.s32 s3, s2  }
0x8d: {  	s2 =	sadd.s32 s2, s17  }
0x8e: {  	[smem:$0x3FC6] =	sst s2  }
0x8f: {  	_ = 	snop  }
0x90: {  	s2 =	sld [smem:$0x3FD0];
	(tm) =	ssettm $0x1  }
0x91: {  	s18 =	sld [smem:$0x3FFB];
	_ =	sdelay $0x3  }
0x92: {  	_ =	strace s18  }
0x93: {  	s3 =	sld [smem:$0x3FFC];
	_ =	sdelay $0x3  }
0x94: {  	_ =	strace s3  }
0x95: {  	s3 =	sld [smem:$0x3FFD];
	_ =	sdelay $0x3  }
0x96: {  	_ =	strace s3  }
0x97: {  	_ =	strace $0x8FFFFFFF  }
0x98: {  	s19 =	sld [smem:$0x3FDB];
	_ =	sdelay $0x1  }
0x99: {  	s4 =	simm.s32 $_scs_section_size  }
0x9a: {  	s5 =	simm.s32 $_size__tile_overlayer_lowered;
	s6 =	simm.s32 $_tile_overlayer_lowered  }
0x9b: {  	s22 =	simm.s32 $0x1BFF;
	s21 =	sshll.u32 s6, $0x1;
	s3 =	sadd.s32 s4, s19  }
0x9c: {  	s7 =	simm.s32 $0x0;
	s20 =	sshll.u32 s5, $0x1;
	s5 =	sadd.s32 s21, s3  }
0x9d: {  	[timem:s7], [sflag:s22] =	dma.local [hbm:s5], s20  }
0x9e: {  	_ =	swait.ge [sflag:s22], s20  }
0x9f: {  	s4 =	ssub.s32 $0x0, s20;
	[sflag:s22] =	ssyncset.done $0x0  }
0xa0: {  	[sflag:s22] =	ssyncadd.s32 s4;
	_ =	sdelay $0x1  }
0xa1: {  	s23 =	simm.s32 $0x1B8B  }
0xa2: {  	_ =	swait.ge [sflag:s23], $0x1  }
0xa3: {  	[sflag:s23] =	ssyncset.done $0x0  }
0xa4: {  	s25 =	simm.s32 $0x1B8E;
	s24 =	sld [smem:$0x3FFE];
	[sflag:s23] =	ssyncadd.s32 $0xFFFFFFFF  }
0xa5: {  	s26 =	simm.s32 $execute0_lowered;
	[smem:$0x3FD2] =	sst s25  }
0xa6: {  	s5 =	sshll.u32 s26, $0x1;
	_ =	strace $0x80000049;
	[dreg:$0x1] =	wrdreg $0xFFFFFFFF  }
0xa7: {  	s28 =	simm.s32 $_size_execute0_lowered;
	s3 =	sadd.s32 s3, s5;
	[dreg:$0x0] =	wrdreg $0x0  }
0xa8: {  	s5 =	sshll.u32 s28, $0x1;
	[dreg:$0x2] =	wrdreg s3  }
0xa9: {  	[dreg:$0x3] =	wrdreg s5  }
0xaa: {  	[dreg:$0x4] =	wrdreg $0xC0  }
0xab: {  	_ =	task [dreg:s7], $0x5FFFF  }
0xac: {  	[dreg:$0x1] =	wrdreg $0xFFFFFFFF  }
0xad: {  	[dreg:$0x0] =	wrdreg $0x60  }
0xae: {  	[dreg:$0x2] =	wrdreg s2  }
0xaf: {  	[dreg:$0x3] =	wrdreg s24  }
0xb0: {  	[dreg:$0x4] =	wrdreg $0x7C800  }
0xb1: {  	[dreg:$0x5] =	wrdreg $0x1BC800  }
0xb2: {  	[dreg:$0x6] =	wrdreg $0x9  }
0xb3: {  	_ =	task.clear_ibuf [dreg:s7], $0x7FFFF;
	_ =	strace $0x90000049  }
0xb4: {  	s29 =	simm.s32 $0x9;
	_ =	strace $0x8000004B  }
0xb5: {  	_ =	swait.ge [sflag:s29], $0x1  }
0xb6: {  	[sflag:s29] =	ssyncadd.s32 $0xFFFFFFFF  }
0xb7: {  	_ =	strace $0x9000004B  }
0xb8: {  	_ =	sfence  }
0xb9: {  	s30 =	sld [smem:$0x0];
	_ =	sdelay $0x2  }
0xba: {  	s31 =	sshll.u32 s1, $0xD;
	s1 =	sshrl.u32 s1, $0x2  }
0xbb: {  	s3 =	sand.u32 $0x4000, s31;
	s1 =	sadd.s32 s1, s30  }
0xbc: {  	s0 =	sor.u32 s3, s0;
	s1 =	sshll.u32 s1, $0x11  }
0xbd: {  	s0 =	sor.u32 s1, s0  }
0xbe: {  	s0 =	sadd.s32 $0x8F2B, s0  }
0xbf: {  	[sflag:s0] =	ssyncadd.remote.s32 $0x1  }
0xc0: {  	_ =	sfence.sel $0xFFFF  }
0xc1: {  	[dreg:$0x0] =	wrdreg $0xFFFFFFFF;
	(pc) =	sbr.abs _section_cstart, $3  }
0xc2: {  	[dreg:$0x1] =	wrdreg $0xFFFFFFFF  }
0xc3: {  	_ =	task.clear_ibuf [dreg:s7], $0x2FFFF;
	_ =	strace $0x9FFFFFFF  }
0xc4: {  	(tm) =	ssettm $0x7FFFFFFF  }
0xc5: {  	_ =	shalt  }
tec
execute0_lowered:
.L_overlay_start_1:
0x0: {  	(tag) =	ssettag $0x1  }
0x1: {  	s0 =	rddreg [dreg:$0x0]  }
0x2: {  	s8 =	rddreg [dreg:$0x1]  }
0x3: {  	s1 =	rddreg [dreg:$0x2]  }
0x4: {  	s2 =	rddreg [dreg:$0x3]  }
0x5: {  	s3 =	srdreg.scid;
	s18 =	stileid.u32  }
0x6: {  	s28 =	simm.s32 $0xC;
	s29 =	simm.s32 $0xD;
	s30 =	simm.s32 $0xB  }
0x7: {  	s31 =	simm.s32 $0x8;
	s15 =	sand.u32 $0x1, s3;
	s6 =	smul.u32 $0x14000, s18  }
0x8: {  	s3 =	simm.s32 $0x0;
	s4 =	sadd.s32 $0x5B200, s8;
	s12 =	smul.u32 $0x50000, s18  }
0x9: {  	s7 =	sadd.s32 $0x800, s8;
	s13 =	sshll.u32 s18, $0x6;
	s5 =	smul.u32 $0x140000, s15  }
0xa: {  	[smem:$0x7FF] =	sst s3;
	s9 =	smul.u32 $0x500, s15;
	s21 =	ssub.s32 $0x2, s15  }
0xb: {  	s13 =	sor.u32 $0x1C0F, s13;
	p0 =	seq.s32 s15, $0x0;
	_ =	strace $0x8000004A  }
0xc: {  	s22 =	sshrl.u32 s21, $0x1;
	s12 =	sshrl.u32 s12, $0x2;
	s4 =	smov.u32 @p0 s0  }
0xd: {  	p0 =	sne.s32 s18, $0x0;
	s0 =	simm.s32 $0x0;
	s6 =	sadd.s32 s6, s5  }
0xe: {  	s5 =	sadd.s32 $0x5800, s8;
	s17 =	sadd.s32 s9, s8;
	s19 =	ssub.s32 s21, s22  }
0xf: {  	s20 =	sadd.s32 s12, s1;
	s10 =	sshrl.u32 s6, $0x3;
	s6 =	smul.u32 $0x2710, s18  }
0x10: {  	s22 =	simm.s32 $0xF;
	s14 =	sadd.s32 $0xA800, s17;
	s16 =	sadd.s32 s10, s8  }
0x11: {  	s21 =	sshrl.u32 s20, $0x3;
	s23 =	sshrl.u32 s6, $0x3;
	s12 =	sadd.s32 $0xB200, s16  }
.Ltmp0:
0x12: {  	s15 =	sadd.s32 $0x82E00, s16;
	s16 =	sadd.s32 $0x82400, s17;
	(pc) =	sbr.rel .LBB2_1-.Ltmp0, $4  }
0x13: {  	s17 =	smax.u32 s19, $0x1;
	s11 =	sadd.s32 $0xA, s23;
	s24 =	sadd.s32 s5, s23  }
0x14: {  	s25 =	sadd.s32 s7, s23;
	s23 =	simm.s32 $0x1;
	[dreg:$0x5] =	wrdreg s24  }
0x15: {  	[dreg:$0x6] =	wrdreg s25;
	s26 =	sadd.s32 s5, s11;
	s11 =	sadd.s32 s7, s11  }
0x16: {  	v0 =	vimm.f32 $1.000000000e+00;
	s24 =	simm.s32 $0x50;
	[dreg:$0x7] =	wrdreg s26;
	s26 =	simm.s32 $0x7C00  }
.LBB2_7:
0x17: {  	_ =	swait.ge [sflag:s28], $0x2800  }
0x18: {  	[sflag:s28] =	ssyncset.done $0x0  }
0x19: {  	[sflag:s28] =	ssyncadd.s32 $0xFFFFD800  }
0x1a: {  	_ =	swait.ge [sflag:s29], $0x2800  }
0x1b: {  	[sflag:s29] =	ssyncset.done $0x0  }
0x1c: {  	[sflag:s29] =	ssyncadd.s32 $0xFFFFD800  }
0x1d: {  	_ =	swait.ge [sflag:s30], $0x50  }
0x1e: {  	[sflag:s30] =	ssyncset.done $0x0  }
0x1f: {  	[sflag:s30] =	ssyncadd.s32 $0xFFFFFFB0  }
0x20: {  	_ =	swait.ge [sflag:s31], $0x50  }
0x21: {  	[sflag:s31] =	ssyncset.done $0x0  }
0x22: {  	[sflag:s31] =	ssyncadd.s32 $0xFFFFFFB0  }
0x23: {  	[bflag:$0x0] =	sbarrier.arrive $0xFFFF  }
0x24: {  	[hbm:s15], [sflag:s13] =	dma.local [spmem:s21], $0x2800  }
0x25: {  	s0 =	sadd.s32 $0x1, s0;
	_ =	swait.ge [sflag:s22], $0x2800  }
0x26: {  	p1 =	sne.s32 s0, s17;
	[sflag:s22] =	ssyncset.done $0x0  }
.Ltmp1:
0x27: {  	s8 =	simm.s32 @!p0 $0xF;
	[sflag:s22] =	ssyncadd.s32 $0xFFFFD800;
	(pc) =	sbr.rel @!p1 .LBB2_8-.Ltmp1, $4  }
0x28: {  	[hbm:s16], [sflag:s13] =	dma.local @!p0 [spmem:s18], $0x500  }
0x29: {  	_ =	swait.ge @!p0 [sflag:s8], $0x500  }
0x2a: {  	[sflag:s8] =	ssyncset.done @!p0 $0x0  }
0x2b: {  	[sflag:s8] =	ssyncadd.s32 @!p0 $0xFFFFFB00  }
.LBB2_1:
0x2c: {  	[tilespmem:$0x7C00] =	vst v0  }
0x2d: {  	[tilespmem:$0x7C10] =	vst v0  }
0x2e: {  	[tilespmem:$0x7C20] =	vst v0  }
0x2f: {  	[tilespmem:$0x7C30] =	vst v0  }
0x30: {  	[tilespmem:$0x7C40] =	vst v0;
	s8 =	rddreg [dreg:$0x5]  }
0x31: {  	[tilespmem:s3], [sflag:$0x1] =	stream.linear.gather [hbm4b:s8+s3], $0x50, $0x38;
	[tilespmem:$0x1BF00] =	vst v63  }
0x32: {  	s10 =	rddreg [dreg:$0x6];
	s9 =	simm.s32 $0x200  }
0x33: {  	[tilespmem:s9], [sflag:$0x1] =	stream.linear.gather [hbm4b:s10+s3], $0x50, $0x38;
	[tilespmem:$0x1BF00] =	vst v63  }
0x34: {  	s18 =	rddreg [dreg:$0x7];
	s19 =	simm.s32 $0x80  }
0x35: {  	[tilespmem:s19], [sflag:$0x2] =	stream.linear.gather [hbm4b:s18+s3], $0x50, $0x38;
	[tilespmem:$0x1BF00] =	vst v63  }
0x36: {  	s20 =	simm.s32 $0x280  }
0x37: {  	[tilespmem:s20], [sflag:$0x2] =	stream.linear.gather [hbm4b:s11+s3], $0x50, $0x38;
	[tilespmem:$0x1BF00] =	vst v63  }
0x38: {  	[spmem:s21], [sflag:s13] =	dma.local [hbm:s12], $0x2800  }
0x39: {  	_ =	swait.ge [sflag:s22], $0x2800  }
0x3a: {  	[sflag:s22] =	ssyncset.done $0x0  }
0x3b: {  	s18 =	sshrl.u32 @!p0 s2, $0x3;
	s19 =	simm.s32 @!p0 $0xF;
	[sflag:s22] =	ssyncadd.s32 $0xFFFFD800  }
0x3c: {  	[spmem:s18], [sflag:s13] =	dma.local @!p0 [hbm:s14], $0x500  }
0x3d: {  	_ =	swait.ge @!p0 [sflag:s19], $0x500  }
0x3e: {  	[sflag:s19] =	ssyncset.done @!p0 $0x0  }
0x3f: {  	[sflag:s19] =	ssyncadd.s32 @!p0 $0xFFFFFB00  }
0x40: {  	_ =	swait.ge [sflag:s23], $0x50  }
0x41: {  	[sflag:s23] =	ssyncset.done $0x0  }
0x42: {  	[sflag:s23] =	ssyncadd.s32 $0xFFFFFFB0  }
0x43: {  	_ =	swait.ge [sflag:s23], $0x50  }
.Ltmp2:
0x44: {  	[sflag:s23] =	ssyncset.done $0x0;
	(pc) =	sbr.rel .LBB2_2-.Ltmp2, $4  }
0x45: {  	s25 =	simm.s32 $0x400;
	[sflag:s23] =	ssyncadd.s32 $0xFFFFFFB0  }
0x46: {  	[tilespmem:s25], [sflag:$0x5] =	stream.indirect.gather [hbm4b:s4+s24], $0x80, s3, s24, $0xb8;
	[tilespmem:$0x1BF00] =	vst v63  }
0x47: {  	[bflag:$0x0] =	sbarrier.arrive $0xFFFF  }
0x48: {  	s19 =	simm.s32 $0x0  }
.LBB2_3:
0x49: {  	s8 =	sadd.s32 $0x2, s19  }
0x4a: {  	s20 =	smul.u32 $0x50, s8;
	_ =	sdelay $0x1  }
0x4b: {  	s20 =	sadd.s32 s6, s20  }
0x4c: {  	s8 =	sand.u32 $0x3, s8;
	s20 =	sshrl.u32 s20, $0x3  }
0x4d: {  	s25 =	sadd.s32 $0x1, s8;
	s8 =	sshll.u32 s8, $0x7;
	s9 =	sadd.s32 s5, s20  }
0x4e: {  	[tilespmem:s8], [sflag:s25] =	stream.linear.gather [hbm4b:s9+s3], $0x50, $0x38;
	[tilespmem:$0x1BF00] =	vst v63  }
0x4f: {  	s20 =	sadd.s32 s7, s20;
	s8 =	sor.u32 $0x200, s8  }
0x50: {  	[tilespmem:s8], [sflag:s25] =	stream.linear.gather [hbm4b:s20+s3], $0x50, $0x38;
	[tilespmem:$0x1BF00] =	vst v63  }
.LBB2_5:
0x51: {  	s20 =	sadd.s32 $0x1, s19  }
0x52: {  	s8 =	smul.u32 $0xAB, s20;
	_ =	sdelay $0x1  }
0x53: {  	s8 =	sshrl.u32 s8, $0x9  }
0x54: {  	s8 =	sand.u32 $0x7F, s8  }
0x55: {  	s9 =	sand.u32 $0x3, s20;
	s8 =	smul.u32 $0x3, s8  }
0x56: {  	s25 =	sadd.s32 $0x1, s9  }
0x57: {  	_ =	swait.ge [sflag:s25], $0x50;
	s8 =	ssub.s32 s20, s8  }
0x58: {  	[sflag:s25] =	ssyncset.done $0x0;
	s8 =	sand.u32 $0xFF, s8  }
0x59: {  	[sflag:s25] =	ssyncadd.s32 $0xFFFFFFB0;
	s10 =	smul.u32 $0xA000, s8  }
0x5a: {  	_ =	swait.ge [sflag:s25], $0x50  }
0x5b: {  	s9 =	sshll.u32 s9, $0x7;
	[sflag:s25] =	ssyncset.done $0x0;
	s10 =	sshrl.u32 s10, $0x2  }
0x5c: {  	[sflag:s25] =	ssyncadd.s32 $0xFFFFFFB0;
	s8 =	sadd.s32 $0x5, s8;
	s10 =	sor.u32 $0x400, s10  }
0x5d: {  	[tilespmem:s10], [sflag:s8] =	stream.indirect.gather [hbm4b:s4+s24], $0x80, s9, s24, $0xb8;
	[tilespmem:$0x1BF00] =	vst v63  }
.LBB2_6:
0x5e: {  	s8 =	smul.u32 $0xAB, s19;
	_ =	sdelay $0x1  }
0x5f: {  	s8 =	sshrl.u32 s8, $0x9  }
0x60: {  	s8 =	sand.u32 $0x7F, s8  }
0x61: {  	s8 =	smul.u32 $0x3, s8;
	_ =	sdelay $0x1  }
0x62: {  	s8 =	ssub.s32 s19, s8  }
0x63: {  	p1 =	slt.u32 s20, $0x7D;
	s8 =	sand.u32 $0xFF, s8  }
0x64: {  	s19 =	sand.u32 $0x3, s19;
	s9 =	sadd.s32 $0x5, s8;
	s10 =	smul.u32 $0xA000, s8  }
0x65: {  	s25 =	sshll.u32 s19, $0x7;
	s8 =	sor.u32 $0xC, s8;
	_ =	swait.ge [sflag:s9], $0x2800  }
.Ltmp3:
0x66: {  	[sflag:s9] =	ssyncset.done $0x0;
	s10 =	sshrl.u32 s10, $0x2;
	(pc) =	sbr.rel @!p1 .LBB2_7-.Ltmp3, $4  }
0x67: {  	[sflag:s9] =	ssyncadd.s32 $0xFFFFD800;
	s10 =	sor.u32 $0x400, s10;
	s9 =	sor.u32 $0x200, s25  }
0x68: {  	[spmem:s1] =	stream.indirect.scatter.add.f32 [tilespmem:s10], [sflag:s8], $0x80, s9, s24, $0xb8;
	[tilespmem:$0x1BF00] =	vst v63  }
0x69: {  	s25 =	sor.u32 $0x8, s19;
	s19 =	smov.u32 s20  }
0x6a: {  	[spmem:s2] =	stream.indirect.scatter.add.f32 [tilespmem:s26], [sflag:s25], $0x1, s9, s24, $0xb8;
	[tilespmem:$0x1BF00] =	vst v63  }
.LBB2_2:
0x6b: {  	p1 =	slt.u32 s19, $0x2  }
0x6c: {  	s20 =	sadd.s32 @!p1 $0xFFFFFFFE, s19  }
0x6d: {  	s25 =	smul.u32 @!p1 $0xAB, s20;
	_ =	sdelay $0x1  }
0x6e: {  	s25 =	sshrl.u32 @!p1 s25, $0x9  }
0x6f: {  	s25 =	sand.u32 @!p1 $0x7F, s25  }
0x70: {  	s8 =	sand.u32 @!p1 $0x3, s20;
	s25 =	smul.u32 @!p1 $0x3, s25  }
0x71: {  	p2 =	sgt.u32 @!p1 s19, $0x7A;
	s8 =	sor.u32 @!p1 $0x8, s8  }
0x72: {  	p2 =	por p1, !p2;
	_ =	swait.ge @!p1 [sflag:s8], $0x50;
	s20 =	ssub.s32 @!p1 s20, s25  }
.Ltmp4:
0x73: {  	[sflag:s8] =	ssyncset.done @!p1 $0x0;
	s20 =	sor.u32 @!p1 $0xC, s20;
	(pc) =	sbr.rel @p2 .LBB2_3-.Ltmp4, $4  }
0x74: {  	[sflag:s8] =	ssyncadd.s32 @!p1 $0xFFFFFFB0;
	s8 =	sand.u32 @!p1 $0xFF, s20  }
0x75: {  	_ =	swait.ge @!p1 [sflag:s8], $0x2800  }
0x76: {  	[sflag:s8] =	ssyncset.done @!p1 $0x0  }
0x77: {  	[sflag:s8] =	ssyncadd.s32 @!p1 $0xFFFFD800  }
0x78: {  	p1 =	seq.s32 s19, $0x7C  }
.Ltmp5:
0x79: {  	_ = 	snop;
	(pc) =	sbr.rel @p1 .LBB2_6-.Ltmp5, $4  }
.Ltmp6:
0x7a: {  	_ = 	snop;
	(pc) =	sbr.rel @!p1 .LBB2_5-.Ltmp6, $4  }
0x7b: {  	_ = 	snop  }
0x7c: {  	_ = 	snop  }
0x7d: {  	s20 =	simm.s32 $0x7D  }
0x7e: {  	_ = 	snop  }
.LBB2_8:
0x7f: {  	_ =	sfence.sel $0x180000  }
0x80: {  	[bflag:$0x0] =	sbarrier.arrive $0xFFFF  }
0x81: {  	_ =	strace $0x9000004A  }
0x82: {  	[bflag:$0x2] =	sbarrier.arrive $0xFFFF  }
0x83: {  	s0 =	rddreg [dreg:$0x4]  }
0x84: {  	s0 =	sadd.s32 @!p0 $0x100000, s0  }
0x85: {  	[sflag:s0] =	ssyncadd.tile.s32 @!p0 $0x1;
	_ =	shalt  }
.Lfunc_end2:
_tile_overlayer_lowered:
.L_overlay_start_2:
0x86: {  	(tag) =	ssettag $0x2  }
0x87: {  	s0 =	rddreg [dreg:$0x0];
	s2 =	stileid.u32  }
0x88: {  	s1 =	rddreg [dreg:$0x1];
	p0 =	sne.s32 s2, $0x0  }
0x89: {  	s3 =	rddreg [dreg:$0x2];
	[bflag:$0x3] =	sbarrier.arrive $0xFFFF;
	s2 =	simm.s32 @!p0 $0x1C0F  }
0x8a: {  	[timem:s3], [sflag:s2] =	dma.local @!p0 [hbm:s0], s1  }
0x8b: {  	s0 =	simm.s32 @!p0 $0xF  }
0x8c: {  	_ =	swait.ge @!p0 [sflag:s0], s1  }
0x8d: {  	s1 =	ssub.s32 @!p0 $0x0, s1;
	[sflag:s0] =	ssyncset.done @!p0 $0x0  }
0x8e: {  	[sflag:s0] =	ssyncadd.s32 @!p0 s1  }
0x8f: {  	[bflag:$0x3] =	sbarrier.arrive $0xFFFF  }
0x90: {  	_ =	shalt  }

</sc_bundles>
